<compile_context>
chip_gen: v7x
topology: tpu7x:2x2x1
jax: 0.10.2.dev20260603
libtpu: 0.0.44.dev20260713+nightly
codegen_flags: <defaults>
</compile_context>

<pallas_src>
import functools

import jax
import jax.numpy as jnp
from jax import lax
from jax.experimental import pallas as pl
from jax.experimental.pallas import tpu as pltpu
from jax.experimental.pallas import tpu_sc as plsc

B = 4096
HIST = 200
NBRS = 50
EDIM = 32
HISTP = 224
NBRSP = 64
RH = HISTP // 4
RN = NBRSP // 4

NW = 32
SUB = 128
GRP = 4
CH = SUB * GRP

HIST_PW = B * HISTP // NW
NBR_PW = B * NBRSP // NW
ONE_PW = B // NW

BB = 128


def _sc_gather_body(item_t, user_t, hist_i, nbr_i, user_i, pos_i, neg_i,
                    hist_o, nbr_o, user_o, pos_o, neg_o,
                    hist_iv, nbr_iv, one_iv, rows_v, sem):
    c = lax.axis_index("c")
    s = lax.axis_index("s")
    wid = s * 2 + c

    pltpu.sync_copy(hist_i.at[wid], hist_iv)
    pltpu.sync_copy(nbr_i.at[wid], nbr_iv)

    def grp(table, idx_v, out, base_rows, g):
        cps = [pltpu.async_copy(table.at[idx_v.at[g * GRP + j]],
                                rows_v.at[pl.ds(j * SUB, SUB)], sem)
               for j in range(GRP)]
        for cp in cps:
            cp.wait()
        pltpu.sync_copy(rows_v, out.at[pl.ds(base_rows + g * CH, CH)])

    def hist_body(g, carry):
        grp(item_t, hist_iv, hist_o, wid * HIST_PW, g)
        return carry

    lax.fori_loop(0, HIST_PW // CH, hist_body, 0)

    def nbr_body(g, carry):
        grp(user_t, nbr_iv, nbr_o, wid * NBR_PW, g)
        return carry

    lax.fori_loop(0, NBR_PW // CH, nbr_body, 0)

    for idx_hbm, table, out in ((user_i, user_t, user_o),
                                (pos_i, item_t, pos_o),
                                (neg_i, item_t, neg_o)):
        pltpu.sync_copy(idx_hbm.at[wid], one_iv)
        pltpu.async_copy(table.at[one_iv.at[0]],
                         rows_v.at[pl.ds(0, SUB)], sem).wait()
        pltpu.sync_copy(rows_v.at[pl.ds(0, SUB)],
                        out.at[pl.ds(wid * ONE_PW, ONE_PW)])


@functools.cache
def _sc_gather():
    return functools.partial(
        pl.kernel,
        out_type=[
            jax.ShapeDtypeStruct((B * HISTP, EDIM), jnp.float32),
            jax.ShapeDtypeStruct((B * NBRSP, EDIM), jnp.float32),
            jax.ShapeDtypeStruct((B, EDIM), jnp.float32),
            jax.ShapeDtypeStruct((B, EDIM), jnp.float32),
            jax.ShapeDtypeStruct((B, EDIM), jnp.float32),
        ],
        mesh=plsc.VectorSubcoreMesh(core_axis_name="c", subcore_axis_name="s"),
        compiler_params=pltpu.CompilerParams(use_tc_tiling_on_sc=False),
        scratch_types=[
            pltpu.VMEM((HIST_PW // SUB, SUB), jnp.int32),
            pltpu.VMEM((NBR_PW // SUB, SUB), jnp.int32),
            pltpu.VMEM((1, SUB), jnp.int32),
            pltpu.VMEM((CH, EDIM), jnp.float32),
            pltpu.SemaphoreType.DMA,
        ],
    )(_sc_gather_body)


def _tc_forward_body(hist_ref, histidx_ref, nbr_ref, nbridx_ref,
                     u_ref, pos_ref, neg_ref,
                     ia_wblk, ia_wu, ia_b1, ia_w2sel,
                     ua_wblk, ua_wu, ua_b1, ua_w2sel,
                     rep, scat,
                     fusew, fuseb, selfw, selfb, ul1w, ul1b, ul2w, ul2b,
                     il1w, il1b, il2w, il2b, rp1w, rp1b, rp2w, rp2b,
                     rp3wt, rp3b, pos_out, neg_out):
    u = u_ref[...]

    def attn(xp3, idx4, wblk, wu, b1, w2sel, R):
        pre = jnp.dot(u, wu) + b1
        pre128 = jnp.concatenate([pre] * 4, axis=1)
        t2 = jnp.dot(xp3.reshape(BB * R, 128), wblk)
        h3 = jnp.maximum(t2.reshape(BB, R, 128) + pre128[:, None, :], 0.0)
        s4 = jnp.dot(h3.reshape(BB * R, 128), w2sel).reshape(BB, R, 4)
        e4 = jnp.exp(s4) * (idx4 != 0).astype(jnp.float32)
        z = jnp.sum(jnp.sum(e4, axis=1), axis=1, keepdims=True)
        a128 = jnp.dot(e4.reshape(BB * R, 4), rep[...]).reshape(BB, R, 128)
        w = jnp.sum(a128 * xp3, axis=1)
        return jnp.dot(w, scat[...]) / jnp.maximum(z, 1e-35)

    h_item = attn(hist_ref[...], histidx_ref[...], ia_wblk[...],
                  ia_wu[...], ia_b1[...], ia_w2sel[...], RH)
    h_soc = attn(nbr_ref[...], nbridx_ref[...], ua_wblk[...],
                 ua_wu[...], ua_b1[...], ua_w2sel[...], RN)

    h = jnp.maximum(
        jnp.dot(jnp.concatenate([h_item, h_soc], axis=1), fusew[...]) + fuseb[...],
        0.0)
    hu = jnp.dot(jnp.concatenate([h, u], axis=1), selfw[...]) + selfb[...]
    hu = jnp.dot(jnp.maximum(jnp.dot(hu, ul1w[...]) + ul1b[...], 0.0),
                 ul2w[...]) + ul2b[...]

    def item_mlp(x):
        return jnp.dot(jnp.maximum(jnp.dot(x, il1w[...]) + il1b[...], 0.0),
                       il2w[...]) + il2b[...]

    ph = item_mlp(pos_ref[...])
    nh = item_mlp(neg_ref[...])

    def rp(x):
        x = jnp.maximum(jnp.dot(x, rp1w[...]) + rp1b[...], 0.0)
        x = jnp.maximum(jnp.dot(x, rp2w[...]) + rp2b[...], 0.0)
        return jnp.sum(x * rp3wt[...], axis=1, keepdims=True) + rp3b[0, 0]

    pos_out[...] = rp(jnp.concatenate([hu, ph], axis=1))
    neg_out[...] = rp(jnp.concatenate([hu, nh], axis=1))


def _tc_forward(histp, histidx4, nbrp, nbridx4, u_rows, pos_rows, neg_rows,
                weights):
    grid = (B // BB,)
    data_specs = [
        pl.BlockSpec((BB, RH, 128), lambda i: (i, 0, 0)),
        pl.BlockSpec((BB, RH, 4), lambda i: (i, 0, 0)),
        pl.BlockSpec((BB, RN, 128), lambda i: (i, 0, 0)),
        pl.BlockSpec((BB, RN, 4), lambda i: (i, 0, 0)),
        pl.BlockSpec((BB, EDIM), lambda i: (i, 0)),
        pl.BlockSpec((BB, EDIM), lambda i: (i, 0)),
        pl.BlockSpec((BB, EDIM), lambda i: (i, 0)),
    ]
    w_specs = [pl.BlockSpec(w.shape, lambda i: (0,) * w.ndim) for w in weights]
    out_specs = [pl.BlockSpec((BB, 1), lambda i: (i, 0))] * 2
    return pl.pallas_call(
        _tc_forward_body,
        grid=grid,
        in_specs=data_specs + w_specs,
        out_specs=out_specs,
        out_shape=[jax.ShapeDtypeStruct((B, 1), jnp.float32)] * 2,
    )(histp, histidx4, nbrp, nbridx4, u_rows, pos_rows, neg_rows, *weights)


def kernel(user, user_hist, user_nbrs, pos_item, neg_item, params):
    item_t = params['item_embs']
    user_t = params['user_embs']

    hist_pad = jnp.pad(user_hist, ((0, 0), (0, HISTP - HIST)))
    nbr_pad = jnp.pad(user_nbrs, ((0, 0), (0, NBRSP - NBRS)))

    hist_i = hist_pad.reshape(NW, HIST_PW // SUB, SUB)
    nbr_i = nbr_pad.reshape(NW, NBR_PW // SUB, SUB)
    user_i = user.reshape(NW, 1, SUB)
    pos_i = pos_item.reshape(NW, 1, SUB)
    neg_i = neg_item.reshape(NW, 1, SUB)

    hist_rows, nbr_rows, u_rows, pos_rows, neg_rows = _sc_gather()(
        item_t, user_t, hist_i, nbr_i, user_i, pos_i, neg_i)

    histp = hist_rows.reshape(B, RH, 128)
    nbrp = nbr_rows.reshape(B, RN, 128)
    histidx4 = hist_pad.reshape(B, RH, 4)
    nbridx4 = nbr_pad.reshape(B, RN, 4)

    p = params
    eye4 = jnp.eye(4, dtype=jnp.float32)

    def row(b):
        return b.reshape(1, -1)

    def attn_weights(p1, p2):
        w1, b1 = p1
        w2, _ = p2
        wblk = jnp.kron(eye4, w1[:EDIM, :])
        wu = w1[EDIM:, :]
        w2sel = jnp.kron(eye4, w2)
        return wblk, wu, row(b1), w2sel

    rep = jnp.kron(eye4, jnp.ones((1, EDIM), jnp.float32))
    scat = jnp.kron(jnp.ones((4, 1), jnp.float32),
                    jnp.eye(EDIM, dtype=jnp.float32))

    weights = (
        *attn_weights(p['ia1'], p['ia2']),
        *attn_weights(p['ua1'], p['ua2']),
        rep, scat,
        p['fuse'][0], row(p['fuse'][1]), p['self'][0], row(p['self'][1]),
        p['ul1'][0], row(p['ul1'][1]), p['ul2'][0], row(p['ul2'][1]),
        p['il1'][0], row(p['il1'][1]), p['il2'][0], row(p['il2'][1]),
        p['rp1'][0], row(p['rp1'][1]), p['rp2'][0], row(p['rp2'][1]),
        p['rp3'][0].T, p['rp3'][1].reshape(1, 1),
    )

    return _tc_forward(histp, histidx4, nbrp, nbridx4,
                       u_rows, pos_rows, neg_rows, weights)

# --- scband reference (transcript-rebuilt; emitter-appended) ---
"""Pipeline reference for scband-graph-rec-61203283968781 (READ-ONLY COPY).

The authoritative reference and input builder live on the scoring server;
editing this copy changes nothing except your own understanding.
"""

import jax, jax.numpy as jnp
import numpy as np

USER_NUM = 100000
ITEM_NUM = 1000000
EDIM = 32
B = 4096
HIST = 200
NBRS = 50


def _lin(key, fan_in, fan_out):
    k1, k2 = jax.random.split(key)
    s = 1.0 / np.sqrt(fan_in)
    W = jax.random.uniform(k1, (fan_in, fan_out), minval=-s, maxval=s, dtype=jnp.float32)
    b = jax.random.uniform(k2, (fan_out,), minval=-s, maxval=s, dtype=jnp.float32)
    return (W, b)


def setup_inputs(seed: int = 0):
    key = jax.random.key(seed)
    ks = jax.random.split(key, 20)
    user = jax.random.randint(ks[0], (B,), 0, USER_NUM)
    user_hist = jax.random.randint(ks[1], (B, HIST), 0, ITEM_NUM)
    user_nbrs = jax.random.randint(ks[2], (B, NBRS), 0, USER_NUM)
    pos_item = jax.random.randint(ks[3], (B,), 0, ITEM_NUM)
    neg_item = jax.random.randint(ks[4], (B,), 0, ITEM_NUM)
    user_embs = jax.random.uniform(ks[5], (USER_NUM, EDIM), minval=-0.5 / USER_NUM, maxval=0.5 / USER_NUM, dtype=jnp.float32).at[0].set(0.0)
    item_embs = jax.random.uniform(ks[6], (ITEM_NUM, EDIM), minval=-0.5 / ITEM_NUM, maxval=0.5 / ITEM_NUM, dtype=jnp.float32).at[0].set(0.0)
    params = {
        'user_embs': user_embs,
        'item_embs': item_embs,
        'ia1': _lin(ks[7], 2 * EDIM, EDIM), 'ia2': _lin(ks[8], EDIM, 1),
        'ua1': _lin(ks[9], 2 * EDIM, EDIM), 'ua2': _lin(ks[10], EDIM, 1),
        'fuse': _lin(ks[11], 2 * EDIM, EDIM), 'self': _lin(ks[12], 2 * EDIM, EDIM),
        'ul1': _lin(ks[13], EDIM, EDIM), 'ul2': _lin(ks[14], EDIM, EDIM),
        'il1': _lin(ks[15], EDIM, EDIM), 'il2': _lin(ks[16], EDIM, EDIM),
        'rp1': _lin(ks[17], 2 * EDIM, EDIM), 'rp2': _lin(ks[18], EDIM, EDIM), 'rp3': _lin(ks[19], EDIM, 1),
    }
    return {'user': user, 'user_hist': user_hist, 'user_nbrs': user_nbrs,
            'pos_item': pos_item, 'neg_item': neg_item, 'params': params}


def _apply(p, x):
    return x @ p[0] + p[1]


def _attn(items, user_emb, mask, p1, p2):
    # items: [B, L, d]; user_emb: [B, d]; mask: [B, L]
    u = jnp.broadcast_to(user_emb[:, None, :], items.shape)
    h = jax.nn.relu(_apply(p1, jnp.concatenate([items, u], axis=-1)))
    h = _apply(p2, h) + mask[..., None]
    a = jax.nn.softmax(h, axis=1)
    return (a * items).sum(axis=1)


def _forward(params, user, user_hist, user_nbrs, pos_item, neg_item):
    # UserEncoder (dropout = identity in eval/reference)
    user_emb = jnp.take(params['user_embs'], user, axis=0)
    hist_emb = jnp.take(params['item_embs'], user_hist, axis=0)
    hist_mask = -100000000.0 * (user_hist == 0).astype(jnp.float32)
    h_item = _attn(hist_emb, user_emb, hist_mask, params['ia1'], params['ia2'])
    nbrs_emb = jnp.take(params['user_embs'], user_nbrs, axis=0)
    nbrs_mask = -100000000.0 * (user_nbrs == 0).astype(jnp.float32)
    h_social = _attn(nbrs_emb, user_emb, nbrs_mask, params['ua1'], params['ua2'])
    h = jax.nn.relu(_apply(params['fuse'], jnp.concatenate([h_item, h_social], axis=-1)))
    hu = _apply(params['self'], jnp.concatenate([h, user_emb], axis=-1))
    # RatePredictor
    hu = _apply(params['ul2'], jax.nn.relu(_apply(params['ul1'], hu)))
    pos_hi = jnp.take(params['item_embs'], pos_item, axis=0)
    neg_hi = jnp.take(params['item_embs'], neg_item, axis=0)
    pos_hi = _apply(params['il2'], jax.nn.relu(_apply(params['il1'], pos_hi)))
    neg_hi = _apply(params['il2'], jax.nn.relu(_apply(params['il1'], neg_hi)))

    def rp(x):
        x = jax.nn.relu(_apply(params['rp1'], x))
        x = jax.nn.relu(_apply(params['rp2'], x))
        return _apply(params['rp3'], x)

    pos_logits = rp(jnp.concatenate([hu, pos_hi], axis=-1))
    neg_logits = rp(jnp.concatenate([hu, neg_hi], axis=-1))
    return (pos_logits, neg_logits)


def reference(user, user_hist, user_nbrs, pos_item, neg_item, params):
    return _forward(params, user, user_hist, user_nbrs, pos_item, neg_item)

if __name__ == "__main__":
    import jax
    _d = setup_inputs()
    print(jax.jit(kernel)(*tuple(_d.values())))

</pallas_src>

<mosaic_0001>
#map = affine_map<(d0, d1) -> (0, 0)>
#map1 = affine_map<(d0, d1) -> (0, 0, 0)>
module attributes {stable_mosaic.version = 14 : i64} {
  func.func @_sc_gather_body(%arg0: i32, %arg1: i32, %arg2: memref<1000000x32xf32, #tpu.memory_space<hbm>>, %arg3: memref<100000x32xf32, #tpu.memory_space<hbm>>, %arg4: memref<32x224x128xi32, #tpu.memory_space<hbm>>, %arg5: memref<32x64x128xi32, #tpu.memory_space<hbm>>, %arg6: memref<32x1x128xi32, #tpu.memory_space<hbm>>, %arg7: memref<32x1x128xi32, #tpu.memory_space<hbm>>, %arg8: memref<32x1x128xi32, #tpu.memory_space<hbm>>, %arg9: memref<917504x32xf32, #tpu.memory_space<hbm>>, %arg10: memref<262144x32xf32, #tpu.memory_space<hbm>>, %arg11: memref<4096x32xf32, #tpu.memory_space<hbm>>, %arg12: memref<4096x32xf32, #tpu.memory_space<hbm>>, %arg13: memref<4096x32xf32, #tpu.memory_space<hbm>>, %arg14: memref<224x128xi32, #tpu.memory_space<vmem>>, %arg15: memref<64x128xi32, #tpu.memory_space<vmem>>, %arg16: memref<1x128xi32, #tpu.memory_space<vmem>>, %arg17: memref<512x32xf32, #tpu.memory_space<vmem>>, %arg18: memref<!tpu.dma_semaphore, #tpu.memory_space<semaphore_mem>>) attributes {dimension_semantics = [#tpu.dimension_semantics<core_parallel>, #tpu.dimension_semantics<subcore_parallel>], iteration_bounds = array<i64: 2, 16>, scalar_prefetch = 0 : i64, scratch_operands = 5 : i64, tpu.core_type = #tpu.core_type<sc_vector_subcore>, window_params = [{transform_indices = #map}, {transform_indices = #map}, {transform_indices = #map1}, {transform_indices = #map1}, {transform_indices = #map1}, {transform_indices = #map1}, {transform_indices = #map1}, {transform_indices = #map}, {transform_indices = #map}, {transform_indices = #map}, {transform_indices = #map}, {transform_indices = #map}]} {
    %mul3A = arith.constant 2 : i32
    %mul3A_0 = arith.muli %arg1, %mul3A : i32
    %add3A = arith.addi %mul3A_0, %arg0 : i32
    "tpu.region"() ({
      %run_scoped3A = tpu.sem_alloc : memref<!tpu.dma_semaphore, #tpu.memory_space<semaphore_mem>>
      %dma_start3A_76 = arith.constant 0 : i32
      %dma_start3A_77 = arith.constant 0 : i32
      %dma_start3A_78 = tpu.memref_slice %arg4[%add3A, %dma_start3A_76, %dma_start3A_77] : memref<32x224x128xi32, #tpu.memory_space<hbm>> -> memref<1x224x128xi32, #tpu.memory_space<hbm>>
      %dma_start3A_79 = tpu.memref_squeeze %dma_start3A_78 : memref<1x224x128xi32, #tpu.memory_space<hbm>> -> memref<224x128xi32, #tpu.memory_space<hbm>>
      %dma_start3A_80 = arith.constant 0 : i32
      %dma_start3A_81 = arith.constant 0 : i32
      %dma_start3A_82 = tpu.memref_slice %arg4[%add3A, %dma_start3A_80, %dma_start3A_81] : memref<32x224x128xi32, #tpu.memory_space<hbm>> -> memref<1x224x128xi32, #tpu.memory_space<hbm>>
      %dma_start3A_83 = tpu.memref_squeeze %dma_start3A_82 : memref<1x224x128xi32, #tpu.memory_space<hbm>> -> memref<224x128xi32, #tpu.memory_space<hbm>>
      tpu.enqueue_dma source(%dma_start3A_83 : memref<224x128xi32, #tpu.memory_space<hbm>>) target(%arg14 : memref<224x128xi32, #tpu.memory_space<vmem>>) target_semaphore(%run_scoped3A : memref<!tpu.dma_semaphore, #tpu.memory_space<semaphore_mem>>)
      %dma_wait3A_84 = arith.constant 0 : i32
      %dma_wait3A_85 = arith.constant 0 : i32
      %dma_wait3A_86 = tpu.memref_slice %arg4[%add3A, %dma_wait3A_84, %dma_wait3A_85] : memref<32x224x128xi32, #tpu.memory_space<hbm>> -> memref<1x224x128xi32, #tpu.memory_space<hbm>>
      %dma_wait3A_87 = tpu.memref_squeeze %dma_wait3A_86 : memref<1x224x128xi32, #tpu.memory_space<hbm>> -> memref<224x128xi32, #tpu.memory_space<hbm>>
      %dma_wait3A_88 = arith.constant 0 : i32
      %dma_wait3A_89 = arith.constant 0 : i32
      %dma_wait3A_90 = tpu.memref_slice %arg4[%add3A, %dma_wait3A_88, %dma_wait3A_89] : memref<32x224x128xi32, #tpu.memory_space<hbm>> -> memref<1x224x128xi32, #tpu.memory_space<hbm>>
      %dma_wait3A_91 = tpu.memref_squeeze %dma_wait3A_90 : memref<1x224x128xi32, #tpu.memory_space<hbm>> -> memref<224x128xi32, #tpu.memory_space<hbm>>
      tpu.wait_dma2 semaphore(%run_scoped3A : memref<!tpu.dma_semaphore, #tpu.memory_space<semaphore_mem>>) src(%dma_wait3A_91 : memref<224x128xi32, #tpu.memory_space<hbm>>) dst(%arg14 : memref<224x128xi32, #tpu.memory_space<vmem>>)
      tpu.yield
    }) : () -> ()
    "tpu.region"() ({
      %run_scoped3A = tpu.sem_alloc : memref<!tpu.dma_semaphore, #tpu.memory_space<semaphore_mem>>
      %dma_start3A_76 = arith.constant 0 : i32
      %dma_start3A_77 = arith.constant 0 : i32
      %dma_start3A_78 = tpu.memref_slice %arg5[%add3A, %dma_start3A_76, %dma_start3A_77] : memref<32x64x128xi32, #tpu.memory_space<hbm>> -> memref<1x64x128xi32, #tpu.memory_space<hbm>>
      %dma_start3A_79 = tpu.memref_squeeze %dma_start3A_78 : memref<1x64x128xi32, #tpu.memory_space<hbm>> -> memref<64x128xi32, #tpu.memory_space<hbm>>
      %dma_start3A_80 = arith.constant 0 : i32
      %dma_start3A_81 = arith.constant 0 : i32
      %dma_start3A_82 = tpu.memref_slice %arg5[%add3A, %dma_start3A_80, %dma_start3A_81] : memref<32x64x128xi32, #tpu.memory_space<hbm>> -> memref<1x64x128xi32, #tpu.memory_space<hbm>>
      %dma_start3A_83 = tpu.memref_squeeze %dma_start3A_82 : memref<1x64x128xi32, #tpu.memory_space<hbm>> -> memref<64x128xi32, #tpu.memory_space<hbm>>
      tpu.enqueue_dma source(%dma_start3A_83 : memref<64x128xi32, #tpu.memory_space<hbm>>) target(%arg15 : memref<64x128xi32, #tpu.memory_space<vmem>>) target_semaphore(%run_scoped3A : memref<!tpu.dma_semaphore, #tpu.memory_space<semaphore_mem>>)
      %dma_wait3A_84 = arith.constant 0 : i32
      %dma_wait3A_85 = arith.constant 0 : i32
      %dma_wait3A_86 = tpu.memref_slice %arg5[%add3A, %dma_wait3A_84, %dma_wait3A_85] : memref<32x64x128xi32, #tpu.memory_space<hbm>> -> memref<1x64x128xi32, #tpu.memory_space<hbm>>
      %dma_wait3A_87 = tpu.memref_squeeze %dma_wait3A_86 : memref<1x64x128xi32, #tpu.memory_space<hbm>> -> memref<64x128xi32, #tpu.memory_space<hbm>>
      %dma_wait3A_88 = arith.constant 0 : i32
      %dma_wait3A_89 = arith.constant 0 : i32
      %dma_wait3A_90 = tpu.memref_slice %arg5[%add3A, %dma_wait3A_88, %dma_wait3A_89] : memref<32x64x128xi32, #tpu.memory_space<hbm>> -> memref<1x64x128xi32, #tpu.memory_space<hbm>>
      %dma_wait3A_91 = tpu.memref_squeeze %dma_wait3A_90 : memref<1x64x128xi32, #tpu.memory_space<hbm>> -> memref<64x128xi32, #tpu.memory_space<hbm>>
      tpu.wait_dma2 semaphore(%run_scoped3A : memref<!tpu.dma_semaphore, #tpu.memory_space<semaphore_mem>>) src(%dma_wait3A_91 : memref<64x128xi32, #tpu.memory_space<hbm>>) dst(%arg15 : memref<64x128xi32, #tpu.memory_space<vmem>>)
      tpu.yield
    }) : () -> ()
    %scan3A = arith.constant 0 : i32
    %scan3A_1 = arith.constant 0 : i32
    %scan3A_2 = arith.constant 56 : i32
    %scan3A_3 = arith.addi %scan3A_1, %scan3A_2 : i32
    %scan3A_4 = arith.constant 1 : i32
    scf.for %scan3A_76 = %scan3A_1 to %scan3A_3 step %scan3A_4  : i32 {
      %mul3A_77 = arith.constant 28672 : i32
      %mul3A_78 = arith.muli %add3A, %mul3A_77 : i32
      %mul3A_79 = arith.constant 4 : i32
      %mul3A_80 = arith.muli %scan3A_76, %mul3A_79 : i32
      %add3A_81 = arith.constant 0 : i32
      %add3A_82 = arith.addi %mul3A_80, %add3A_81 : i32
      %dma_start3A_83 = arith.constant 0 : i32
      %dma_start3A_84 = arith.constant 0 : i32
      %dma_start3A_85 = tpu.memref_slice %arg17[%dma_start3A_83, %dma_start3A_84] : memref<512x32xf32, #tpu.memory_space<vmem>> -> memref<128x32xf32, #tpu.memory_space<vmem>>
      %dma_start3A_86 = arith.constant 0 : i32
      %dma_start3A_87 = tpu.memref_slice %arg14[%add3A_82, %dma_start3A_86] : memref<224x128xi32, #tpu.memory_space<vmem>> -> memref<1x128xi32, #tpu.memory_space<vmem>>
      %dma_start3A_88 = tpu.memref_squeeze %dma_start3A_87 : memref<1x128xi32, #tpu.memory_space<vmem>> -> memref<128xi32, #tpu.memory_space<vmem>>
      %dma_start3A_89 = arith.constant 0 : i32
      %dma_start3A_90 = arith.constant 0 : i32
      %dma_start3A_91 = tpu.memref_slice %arg2[%dma_start3A_89, %dma_start3A_90] : memref<1000000x32xf32, #tpu.memory_space<hbm>> -> memref<1000000x32xf32, #tpu.memory_space<hbm>>
      tpu.enqueue_indirect_dma source(%dma_start3A_91 : memref<1000000x32xf32, #tpu.memory_space<hbm>>) target(%dma_start3A_85 : memref<128x32xf32, #tpu.memory_space<vmem>>) offsets(%dma_start3A_88 : memref<128xi32, #tpu.memory_space<vmem>>) semaphore(%arg18 : memref<!tpu.dma_semaphore, #tpu.memory_space<semaphore_mem>>)
      %mul3A_92 = arith.constant 4 : i32
      %mul3A_93 = arith.muli %scan3A_76, %mul3A_92 : i32
      %add3A_94 = arith.constant 1 : i32
      %add3A_95 = arith.addi %mul3A_93, %add3A_94 : i32
      %dma_start3A_96 = arith.constant 128 : i32
      %dma_start3A_97 = arith.constant 0 : i32
      %dma_start3A_98 = tpu.memref_slice %arg17[%dma_start3A_96, %dma_start3A_97] : memref<512x32xf32, #tpu.memory_space<vmem>> -> memref<128x32xf32, #tpu.memory_space<vmem>>
      %dma_start3A_99 = arith.constant 0 : i32
      %dma_start3A_100 = tpu.memref_slice %arg14[%add3A_95, %dma_start3A_99] : memref<224x128xi32, #tpu.memory_space<vmem>> -> memref<1x128xi32, #tpu.memory_space<vmem>>
      %dma_start3A_101 = tpu.memref_squeeze %dma_start3A_100 : memref<1x128xi32, #tpu.memory_space<vmem>> -> memref<128xi32, #tpu.memory_space<vmem>>
      %dma_start3A_102 = arith.constant 0 : i32
      %dma_start3A_103 = arith.constant 0 : i32
      %dma_start3A_104 = tpu.memref_slice %arg2[%dma_start3A_102, %dma_start3A_103] : memref<1000000x32xf32, #tpu.memory_space<hbm>> -> memref<1000000x32xf32, #tpu.memory_space<hbm>>
      tpu.enqueue_indirect_dma source(%dma_start3A_104 : memref<1000000x32xf32, #tpu.memory_space<hbm>>) target(%dma_start3A_98 : memref<128x32xf32, #tpu.memory_space<vmem>>) offsets(%dma_start3A_101 : memref<128xi32, #tpu.memory_space<vmem>>) semaphore(%arg18 : memref<!tpu.dma_semaphore, #tpu.memory_space<semaphore_mem>>)
      %mul3A_105 = arith.constant 4 : i32
      %mul3A_106 = arith.muli %scan3A_76, %mul3A_105 : i32
      %add3A_107 = arith.constant 2 : i32
      %add3A_108 = arith.addi %mul3A_106, %add3A_107 : i32
      %dma_start3A_109 = arith.constant 256 : i32
      %dma_start3A_110 = arith.constant 0 : i32
      %dma_start3A_111 = tpu.memref_slice %arg17[%dma_start3A_109, %dma_start3A_110] : memref<512x32xf32, #tpu.memory_space<vmem>> -> memref<128x32xf32, #tpu.memory_space<vmem>>
      %dma_start3A_112 = arith.constant 0 : i32
      %dma_start3A_113 = tpu.memref_slice %arg14[%add3A_108, %dma_start3A_112] : memref<224x128xi32, #tpu.memory_space<vmem>> -> memref<1x128xi32, #tpu.memory_space<vmem>>
      %dma_start3A_114 = tpu.memref_squeeze %dma_start3A_113 : memref<1x128xi32, #tpu.memory_space<vmem>> -> memref<128xi32, #tpu.memory_space<vmem>>
      %dma_start3A_115 = arith.constant 0 : i32
      %dma_start3A_116 = arith.constant 0 : i32
      %dma_start3A_117 = tpu.memref_slice %arg2[%dma_start3A_115, %dma_start3A_116] : memref<1000000x32xf32, #tpu.memory_space<hbm>> -> memref<1000000x32xf32, #tpu.memory_space<hbm>>
      tpu.enqueue_indirect_dma source(%dma_start3A_117 : memref<1000000x32xf32, #tpu.memory_space<hbm>>) target(%dma_start3A_111 : memref<128x32xf32, #tpu.memory_space<vmem>>) offsets(%dma_start3A_114 : memref<128xi32, #tpu.memory_space<vmem>>) semaphore(%arg18 : memref<!tpu.dma_semaphore, #tpu.memory_space<semaphore_mem>>)
      %mul3A_118 = arith.constant 4 : i32
      %mul3A_119 = arith.muli %scan3A_76, %mul3A_118 : i32
      %add3A_120 = arith.constant 3 : i32
      %add3A_121 = arith.addi %mul3A_119, %add3A_120 : i32
      %dma_start3A_122 = arith.constant 384 : i32
      %dma_start3A_123 = arith.constant 0 : i32
      %dma_start3A_124 = tpu.memref_slice %arg17[%dma_start3A_122, %dma_start3A_123] : memref<512x32xf32, #tpu.memory_space<vmem>> -> memref<128x32xf32, #tpu.memory_space<vmem>>
      %dma_start3A_125 = arith.constant 0 : i32
      %dma_start3A_126 = tpu.memref_slice %arg14[%add3A_121, %dma_start3A_125] : memref<224x128xi32, #tpu.memory_space<vmem>> -> memref<1x128xi32, #tpu.memory_space<vmem>>
      %dma_start3A_127 = tpu.memref_squeeze %dma_start3A_126 : memref<1x128xi32, #tpu.memory_space<vmem>> -> memref<128xi32, #tpu.memory_space<vmem>>
      %dma_start3A_128 = arith.constant 0 : i32
      %dma_start3A_129 = arith.constant 0 : i32
      %dma_start3A_130 = tpu.memref_slice %arg2[%dma_start3A_128, %dma_start3A_129] : memref<1000000x32xf32, #tpu.memory_space<hbm>> -> memref<1000000x32xf32, #tpu.memory_space<hbm>>
      tpu.enqueue_indirect_dma source(%dma_start3A_130 : memref<1000000x32xf32, #tpu.memory_space<hbm>>) target(%dma_start3A_124 : memref<128x32xf32, #tpu.memory_space<vmem>>) offsets(%dma_start3A_127 : memref<128xi32, #tpu.memory_space<vmem>>) semaphore(%arg18 : memref<!tpu.dma_semaphore, #tpu.memory_space<semaphore_mem>>)
      %dma_wait3A_131 = arith.constant 0 : i32
      %dma_wait3A_132 = arith.constant 0 : i32
      %dma_wait3A_133 = tpu.memref_slice %arg17[%dma_wait3A_131, %dma_wait3A_132] : memref<512x32xf32, #tpu.memory_space<vmem>> -> memref<128x32xf32, #tpu.memory_space<vmem>>
      %dma_wait3A_134 = arith.constant 0 : i32
      %dma_wait3A_135 = tpu.memref_slice %arg14[%add3A_82, %dma_wait3A_134] : memref<224x128xi32, #tpu.memory_space<vmem>> -> memref<1x128xi32, #tpu.memory_space<vmem>>
      %dma_wait3A_136 = tpu.memref_squeeze %dma_wait3A_135 : memref<1x128xi32, #tpu.memory_space<vmem>> -> memref<128xi32, #tpu.memory_space<vmem>>
      %dma_wait3A_137 = arith.constant 0 : i32
      %dma_wait3A_138 = arith.constant 0 : i32
      %dma_wait3A_139 = tpu.memref_slice %arg2[%dma_wait3A_137, %dma_wait3A_138] : memref<1000000x32xf32, #tpu.memory_space<hbm>> -> memref<1000000x32xf32, #tpu.memory_space<hbm>>
      tpu.wait_indirect_dma semaphore(%arg18 : memref<!tpu.dma_semaphore, #tpu.memory_space<semaphore_mem>>) src(%dma_wait3A_139 : memref<1000000x32xf32, #tpu.memory_space<hbm>>) dst(%dma_wait3A_133 : memref<128x32xf32, #tpu.memory_space<vmem>>)
      %dma_wait3A_140 = arith.constant 128 : i32
      %dma_wait3A_141 = arith.constant 0 : i32
      %dma_wait3A_142 = tpu.memref_slice %arg17[%dma_wait3A_140, %dma_wait3A_141] : memref<512x32xf32, #tpu.memory_space<vmem>> -> memref<128x32xf32, #tpu.memory_space<vmem>>
      %dma_wait3A_143 = arith.constant 0 : i32
      %dma_wait3A_144 = tpu.memref_slice %arg14[%add3A_95, %dma_wait3A_143] : memref<224x128xi32, #tpu.memory_space<vmem>> -> memref<1x128xi32, #tpu.memory_space<vmem>>
      %dma_wait3A_145 = tpu.memref_squeeze %dma_wait3A_144 : memref<1x128xi32, #tpu.memory_space<vmem>> -> memref<128xi32, #tpu.memory_space<vmem>>
      %dma_wait3A_146 = arith.constant 0 : i32
      %dma_wait3A_147 = arith.constant 0 : i32
      %dma_wait3A_148 = tpu.memref_slice %arg2[%dma_wait3A_146, %dma_wait3A_147] : memref<1000000x32xf32, #tpu.memory_space<hbm>> -> memref<1000000x32xf32, #tpu.memory_space<hbm>>
      tpu.wait_indirect_dma semaphore(%arg18 : memref<!tpu.dma_semaphore, #tpu.memory_space<semaphore_mem>>) src(%dma_wait3A_148 : memref<1000000x32xf32, #tpu.memory_space<hbm>>) dst(%dma_wait3A_142 : memref<128x32xf32, #tpu.memory_space<vmem>>)
      %dma_wait3A_149 = arith.constant 256 : i32
      %dma_wait3A_150 = arith.constant 0 : i32
      %dma_wait3A_151 = tpu.memref_slice %arg17[%dma_wait3A_149, %dma_wait3A_150] : memref<512x32xf32, #tpu.memory_space<vmem>> -> memref<128x32xf32, #tpu.memory_space<vmem>>
      %dma_wait3A_152 = arith.constant 0 : i32
      %dma_wait3A_153 = tpu.memref_slice %arg14[%add3A_108, %dma_wait3A_152] : memref<224x128xi32, #tpu.memory_space<vmem>> -> memref<1x128xi32, #tpu.memory_space<vmem>>
      %dma_wait3A_154 = tpu.memref_squeeze %dma_wait3A_153 : memref<1x128xi32, #tpu.memory_space<vmem>> -> memref<128xi32, #tpu.memory_space<vmem>>
      %dma_wait3A_155 = arith.constant 0 : i32
      %dma_wait3A_156 = arith.constant 0 : i32
      %dma_wait3A_157 = tpu.memref_slice %arg2[%dma_wait3A_155, %dma_wait3A_156] : memref<1000000x32xf32, #tpu.memory_space<hbm>> -> memref<1000000x32xf32, #tpu.memory_space<hbm>>
      tpu.wait_indirect_dma semaphore(%arg18 : memref<!tpu.dma_semaphore, #tpu.memory_space<semaphore_mem>>) src(%dma_wait3A_157 : memref<1000000x32xf32, #tpu.memory_space<hbm>>) dst(%dma_wait3A_151 : memref<128x32xf32, #tpu.memory_space<vmem>>)
      %dma_wait3A_158 = arith.constant 384 : i32
      %dma_wait3A_159 = arith.constant 0 : i32
      %dma_wait3A_160 = tpu.memref_slice %arg17[%dma_wait3A_158, %dma_wait3A_159] : memref<512x32xf32, #tpu.memory_space<vmem>> -> memref<128x32xf32, #tpu.memory_space<vmem>>
      %dma_wait3A_161 = arith.constant 0 : i32
      %dma_wait3A_162 = tpu.memref_slice %arg14[%add3A_121, %dma_wait3A_161] : memref<224x128xi32, #tpu.memory_space<vmem>> -> memref<1x128xi32, #tpu.memory_space<vmem>>
      %dma_wait3A_163 = tpu.memref_squeeze %dma_wait3A_162 : memref<1x128xi32, #tpu.memory_space<vmem>> -> memref<128xi32, #tpu.memory_space<vmem>>
      %dma_wait3A_164 = arith.constant 0 : i32
      %dma_wait3A_165 = arith.constant 0 : i32
      %dma_wait3A_166 = tpu.memref_slice %arg2[%dma_wait3A_164, %dma_wait3A_165] : memref<1000000x32xf32, #tpu.memory_space<hbm>> -> memref<1000000x32xf32, #tpu.memory_space<hbm>>
      tpu.wait_indirect_dma semaphore(%arg18 : memref<!tpu.dma_semaphore, #tpu.memory_space<semaphore_mem>>) src(%dma_wait3A_166 : memref<1000000x32xf32, #tpu.memory_space<hbm>>) dst(%dma_wait3A_160 : memref<128x32xf32, #tpu.memory_space<vmem>>)
      %mul3A_167 = arith.constant 512 : i32
      %mul3A_168 = arith.muli %scan3A_76, %mul3A_167 : i32
      %add3A_169 = arith.addi %mul3A_78, %mul3A_168 : i32
      "tpu.region"() ({
        %run_scoped3A = tpu.sem_alloc : memref<!tpu.dma_semaphore, #tpu.memory_space<semaphore_mem>>
        %dma_start3A_170 = arith.constant 0 : i32
        %dma_start3A_171 = tpu.memref_slice %arg9[%add3A_169, %dma_start3A_170] : memref<917504x32xf32, #tpu.memory_space<hbm>> -> memref<512x32xf32, #tpu.memory_space<hbm>>
        %dma_start3A_172 = arith.constant 0 : i32
        %dma_start3A_173 = tpu.memref_slice %arg9[%add3A_169, %dma_start3A_172] : memref<917504x32xf32, #tpu.memory_space<hbm>> -> memref<512x32xf32, #tpu.memory_space<hbm>>
        tpu.enqueue_dma source(%arg17 : memref<512x32xf32, #tpu.memory_space<vmem>>) target(%dma_start3A_173 : memref<512x32xf32, #tpu.memory_space<hbm>>) target_semaphore(%run_scoped3A : memref<!tpu.dma_semaphore, #tpu.memory_space<semaphore_mem>>)
        %dma_wait3A_174 = arith.constant 0 : i32
        %dma_wait3A_175 = tpu.memref_slice %arg9[%add3A_169, %dma_wait3A_174] : memref<917504x32xf32, #tpu.memory_space<hbm>> -> memref<512x32xf32, #tpu.memory_space<hbm>>
        %dma_wait3A_176 = arith.constant 0 : i32
        %dma_wait3A_177 = tpu.memref_slice %arg9[%add3A_169, %dma_wait3A_176] : memref<917504x32xf32, #tpu.memory_space<hbm>> -> memref<512x32xf32, #tpu.memory_space<hbm>>
        tpu.wait_dma2 semaphore(%run_scoped3A : memref<!tpu.dma_semaphore, #tpu.memory_space<semaphore_mem>>) src(%arg17 : memref<512x32xf32, #tpu.memory_space<vmem>>) dst(%dma_wait3A_177 : memref<512x32xf32, #tpu.memory_space<hbm>>)
        tpu.yield
      }) : () -> ()
    }
    %scan3A_5 = arith.constant 56 : i32
    %scan3A_6 = arith.constant 0 : i32
    %scan3A_7 = arith.constant 0 : i32
    %scan3A_8 = arith.constant 16 : i32
    %scan3A_9 = arith.addi %scan3A_7, %scan3A_8 : i32
    %scan3A_10 = arith.constant 1 : i32
    scf.for %scan3A_76 = %scan3A_7 to %scan3A_9 step %scan3A_10  : i32 {
      %mul3A_77 = arith.constant 8192 : i32
      %mul3A_78 = arith.muli %add3A, %mul3A_77 : i32
      %mul3A_79 = arith.constant 4 : i32
      %mul3A_80 = arith.muli %scan3A_76, %mul3A_79 : i32
      %add3A_81 = arith.constant 0 : i32
      %add3A_82 = arith.addi %mul3A_80, %add3A_81 : i32
      %dma_start3A_83 = arith.constant 0 : i32
      %dma_start3A_84 = arith.constant 0 : i32
      %dma_start3A_85 = tpu.memref_slice %arg17[%dma_start3A_83, %dma_start3A_84] : memref<512x32xf32, #tpu.memory_space<vmem>> -> memref<128x32xf32, #tpu.memory_space<vmem>>
      %dma_start3A_86 = arith.constant 0 : i32
      %dma_start3A_87 = tpu.memref_slice %arg15[%add3A_82, %dma_start3A_86] : memref<64x128xi32, #tpu.memory_space<vmem>> -> memref<1x128xi32, #tpu.memory_space<vmem>>
      %dma_start3A_88 = tpu.memref_squeeze %dma_start3A_87 : memref<1x128xi32, #tpu.memory_space<vmem>> -> memref<128xi32, #tpu.memory_space<vmem>>
      %dma_start3A_89 = arith.constant 0 : i32
      %dma_start3A_90 = arith.constant 0 : i32
      %dma_start3A_91 = tpu.memref_slice %arg3[%dma_start3A_89, %dma_start3A_90] : memref<100000x32xf32, #tpu.memory_space<hbm>> -> memref<100000x32xf32, #tpu.memory_space<hbm>>
      tpu.enqueue_indirect_dma source(%dma_start3A_91 : memref<100000x32xf32, #tpu.memory_space<hbm>>) target(%dma_start3A_85 : memref<128x32xf32, #tpu.memory_space<vmem>>) offsets(%dma_start3A_88 : memref<128xi32, #tpu.memory_space<vmem>>) semaphore(%arg18 : memref<!tpu.dma_semaphore, #tpu.memory_space<semaphore_mem>>)
      %mul3A_92 = arith.constant 4 : i32
      %mul3A_93 = arith.muli %scan3A_76, %mul3A_92 : i32
      %add3A_94 = arith.constant 1 : i32
      %add3A_95 = arith.addi %mul3A_93, %add3A_94 : i32
      %dma_start3A_96 = arith.constant 128 : i32
      %dma_start3A_97 = arith.constant 0 : i32
      %dma_start3A_98 = tpu.memref_slice %arg17[%dma_start3A_96, %dma_start3A_97] : memref<512x32xf32, #tpu.memory_space<vmem>> -> memref<128x32xf32, #tpu.memory_space<vmem>>
      %dma_start3A_99 = arith.constant 0 : i32
      %dma_start3A_100 = tpu.memref_slice %arg15[%add3A_95, %dma_start3A_99] : memref<64x128xi32, #tpu.memory_space<vmem>> -> memref<1x128xi32, #tpu.memory_space<vmem>>
      %dma_start3A_101 = tpu.memref_squeeze %dma_start3A_100 : memref<1x128xi32, #tpu.memory_space<vmem>> -> memref<128xi32, #tpu.memory_space<vmem>>
      %dma_start3A_102 = arith.constant 0 : i32
      %dma_start3A_103 = arith.constant 0 : i32
      %dma_start3A_104 = tpu.memref_slice %arg3[%dma_start3A_102, %dma_start3A_103] : memref<100000x32xf32, #tpu.memory_space<hbm>> -> memref<100000x32xf32, #tpu.memory_space<hbm>>
      tpu.enqueue_indirect_dma source(%dma_start3A_104 : memref<100000x32xf32, #tpu.memory_space<hbm>>) target(%dma_start3A_98 : memref<128x32xf32, #tpu.memory_space<vmem>>) offsets(%dma_start3A_101 : memref<128xi32, #tpu.memory_space<vmem>>) semaphore(%arg18 : memref<!tpu.dma_semaphore, #tpu.memory_space<semaphore_mem>>)
      %mul3A_105 = arith.constant 4 : i32
      %mul3A_106 = arith.muli %scan3A_76, %mul3A_105 : i32
      %add3A_107 = arith.constant 2 : i32
      %add3A_108 = arith.addi %mul3A_106, %add3A_107 : i32
      %dma_start3A_109 = arith.constant 256 : i32
      %dma_start3A_110 = arith.constant 0 : i32
      %dma_start3A_111 = tpu.memref_slice %arg17[%dma_start3A_109, %dma_start3A_110] : memref<512x32xf32, #tpu.memory_space<vmem>> -> memref<128x32xf32, #tpu.memory_space<vmem>>
      %dma_start3A_112 = arith.constant 0 : i32
      %dma_start3A_113 = tpu.memref_slice %arg15[%add3A_108, %dma_start3A_112] : memref<64x128xi32, #tpu.memory_space<vmem>> -> memref<1x128xi32, #tpu.memory_space<vmem>>
      %dma_start3A_114 = tpu.memref_squeeze %dma_start3A_113 : memref<1x128xi32, #tpu.memory_space<vmem>> -> memref<128xi32, #tpu.memory_space<vmem>>
      %dma_start3A_115 = arith.constant 0 : i32
      %dma_start3A_116 = arith.constant 0 : i32
      %dma_start3A_117 = tpu.memref_slice %arg3[%dma_start3A_115, %dma_start3A_116] : memref<100000x32xf32, #tpu.memory_space<hbm>> -> memref<100000x32xf32, #tpu.memory_space<hbm>>
      tpu.enqueue_indirect_dma source(%dma_start3A_117 : memref<100000x32xf32, #tpu.memory_space<hbm>>) target(%dma_start3A_111 : memref<128x32xf32, #tpu.memory_space<vmem>>) offsets(%dma_start3A_114 : memref<128xi32, #tpu.memory_space<vmem>>) semaphore(%arg18 : memref<!tpu.dma_semaphore, #tpu.memory_space<semaphore_mem>>)
      %mul3A_118 = arith.constant 4 : i32
      %mul3A_119 = arith.muli %scan3A_76, %mul3A_118 : i32
      %add3A_120 = arith.constant 3 : i32
      %add3A_121 = arith.addi %mul3A_119, %add3A_120 : i32
      %dma_start3A_122 = arith.constant 384 : i32
      %dma_start3A_123 = arith.constant 0 : i32
      %dma_start3A_124 = tpu.memref_slice %arg17[%dma_start3A_122, %dma_start3A_123] : memref<512x32xf32, #tpu.memory_space<vmem>> -> memref<128x32xf32, #tpu.memory_space<vmem>>
      %dma_start3A_125 = arith.constant 0 : i32
      %dma_start3A_126 = tpu.memref_slice %arg15[%add3A_121, %dma_start3A_125] : memref<64x128xi32, #tpu.memory_space<vmem>> -> memref<1x128xi32, #tpu.memory_space<vmem>>
      %dma_start3A_127 = tpu.memref_squeeze %dma_start3A_126 : memref<1x128xi32, #tpu.memory_space<vmem>> -> memref<128xi32, #tpu.memory_space<vmem>>
      %dma_start3A_128 = arith.constant 0 : i32
      %dma_start3A_129 = arith.constant 0 : i32
      %dma_start3A_130 = tpu.memref_slice %arg3[%dma_start3A_128, %dma_start3A_129] : memref<100000x32xf32, #tpu.memory_space<hbm>> -> memref<100000x32xf32, #tpu.memory_space<hbm>>
      tpu.enqueue_indirect_dma source(%dma_start3A_130 : memref<100000x32xf32, #tpu.memory_space<hbm>>) target(%dma_start3A_124 : memref<128x32xf32, #tpu.memory_space<vmem>>) offsets(%dma_start3A_127 : memref<128xi32, #tpu.memory_space<vmem>>) semaphore(%arg18 : memref<!tpu.dma_semaphore, #tpu.memory_space<semaphore_mem>>)
      %dma_wait3A_131 = arith.constant 0 : i32
      %dma_wait3A_132 = arith.constant 0 : i32
      %dma_wait3A_133 = tpu.memref_slice %arg17[%dma_wait3A_131, %dma_wait3A_132] : memref<512x32xf32, #tpu.memory_space<vmem>> -> memref<128x32xf32, #tpu.memory_space<vmem>>
      %dma_wait3A_134 = arith.constant 0 : i32
      %dma_wait3A_135 = tpu.memref_slice %arg15[%add3A_82, %dma_wait3A_134] : memref<64x128xi32, #tpu.memory_space<vmem>> -> memref<1x128xi32, #tpu.memory_space<vmem>>
      %dma_wait3A_136 = tpu.memref_squeeze %dma_wait3A_135 : memref<1x128xi32, #tpu.memory_space<vmem>> -> memref<128xi32, #tpu.memory_space<vmem>>
      %dma_wait3A_137 = arith.constant 0 : i32
      %dma_wait3A_138 = arith.constant 0 : i32
      %dma_wait3A_139 = tpu.memref_slice %arg3[%dma_wait3A_137, %dma_wait3A_138] : memref<100000x32xf32, #tpu.memory_space<hbm>> -> memref<100000x32xf32, #tpu.memory_space<hbm>>
      tpu.wait_indirect_dma semaphore(%arg18 : memref<!tpu.dma_semaphore, #tpu.memory_space<semaphore_mem>>) src(%dma_wait3A_139 : memref<100000x32xf32, #tpu.memory_space<hbm>>) dst(%dma_wait3A_133 : memref<128x32xf32, #tpu.memory_space<vmem>>)
      %dma_wait3A_140 = arith.constant 128 : i32
      %dma_wait3A_141 = arith.constant 0 : i32
      %dma_wait3A_142 = tpu.memref_slice %arg17[%dma_wait3A_140, %dma_wait3A_141] : memref<512x32xf32, #tpu.memory_space<vmem>> -> memref<128x32xf32, #tpu.memory_space<vmem>>
      %dma_wait3A_143 = arith.constant 0 : i32
      %dma_wait3A_144 = tpu.memref_slice %arg15[%add3A_95, %dma_wait3A_143] : memref<64x128xi32, #tpu.memory_space<vmem>> -> memref<1x128xi32, #tpu.memory_space<vmem>>
      %dma_wait3A_145 = tpu.memref_squeeze %dma_wait3A_144 : memref<1x128xi32, #tpu.memory_space<vmem>> -> memref<128xi32, #tpu.memory_space<vmem>>
      %dma_wait3A_146 = arith.constant 0 : i32
      %dma_wait3A_147 = arith.constant 0 : i32
      %dma_wait3A_148 = tpu.memref_slice %arg3[%dma_wait3A_146, %dma_wait3A_147] : memref<100000x32xf32, #tpu.memory_space<hbm>> -> memref<100000x32xf32, #tpu.memory_space<hbm>>
      tpu.wait_indirect_dma semaphore(%arg18 : memref<!tpu.dma_semaphore, #tpu.memory_space<semaphore_mem>>) src(%dma_wait3A_148 : memref<100000x32xf32, #tpu.memory_space<hbm>>) dst(%dma_wait3A_142 : memref<128x32xf32, #tpu.memory_space<vmem>>)
      %dma_wait3A_149 = arith.constant 256 : i32
      %dma_wait3A_150 = arith.constant 0 : i32
      %dma_wait3A_151 = tpu.memref_slice %arg17[%dma_wait3A_149, %dma_wait3A_150] : memref<512x32xf32, #tpu.memory_space<vmem>> -> memref<128x32xf32, #tpu.memory_space<vmem>>
      %dma_wait3A_152 = arith.constant 0 : i32
      %dma_wait3A_153 = tpu.memref_slice %arg15[%add3A_108, %dma_wait3A_152] : memref<64x128xi32, #tpu.memory_space<vmem>> -> memref<1x128xi32, #tpu.memory_space<vmem>>
      %dma_wait3A_154 = tpu.memref_squeeze %dma_wait3A_153 : memref<1x128xi32, #tpu.memory_space<vmem>> -> memref<128xi32, #tpu.memory_space<vmem>>
      %dma_wait3A_155 = arith.constant 0 : i32
      %dma_wait3A_156 = arith.constant 0 : i32
      %dma_wait3A_157 = tpu.memref_slice %arg3[%dma_wait3A_155, %dma_wait3A_156] : memref<100000x32xf32, #tpu.memory_space<hbm>> -> memref<100000x32xf32, #tpu.memory_space<hbm>>
      tpu.wait_indirect_dma semaphore(%arg18 : memref<!tpu.dma_semaphore, #tpu.memory_space<semaphore_mem>>) src(%dma_wait3A_157 : memref<100000x32xf32, #tpu.memory_space<hbm>>) dst(%dma_wait3A_151 : memref<128x32xf32, #tpu.memory_space<vmem>>)
      %dma_wait3A_158 = arith.constant 384 : i32
      %dma_wait3A_159 = arith.constant 0 : i32
      %dma_wait3A_160 = tpu.memref_slice %arg17[%dma_wait3A_158, %dma_wait3A_159] : memref<512x32xf32, #tpu.memory_space<vmem>> -> memref<128x32xf32, #tpu.memory_space<vmem>>
      %dma_wait3A_161 = arith.constant 0 : i32
      %dma_wait3A_162 = tpu.memref_slice %arg15[%add3A_121, %dma_wait3A_161] : memref<64x128xi32, #tpu.memory_space<vmem>> -> memref<1x128xi32, #tpu.memory_space<vmem>>
      %dma_wait3A_163 = tpu.memref_squeeze %dma_wait3A_162 : memref<1x128xi32, #tpu.memory_space<vmem>> -> memref<128xi32, #tpu.memory_space<vmem>>
      %dma_wait3A_164 = arith.constant 0 : i32
      %dma_wait3A_165 = arith.constant 0 : i32
      %dma_wait3A_166 = tpu.memref_slice %arg3[%dma_wait3A_164, %dma_wait3A_165] : memref<100000x32xf32, #tpu.memory_space<hbm>> -> memref<100000x32xf32, #tpu.memory_space<hbm>>
      tpu.wait_indirect_dma semaphore(%arg18 : memref<!tpu.dma_semaphore, #tpu.memory_space<semaphore_mem>>) src(%dma_wait3A_166 : memref<100000x32xf32, #tpu.memory_space<hbm>>) dst(%dma_wait3A_160 : memref<128x32xf32, #tpu.memory_space<vmem>>)
      %mul3A_167 = arith.constant 512 : i32
      %mul3A_168 = arith.muli %scan3A_76, %mul3A_167 : i32
      %add3A_169 = arith.addi %mul3A_78, %mul3A_168 : i32
      "tpu.region"() ({
        %run_scoped3A = tpu.sem_alloc : memref<!tpu.dma_semaphore, #tpu.memory_space<semaphore_mem>>
        %dma_start3A_170 = arith.constant 0 : i32
        %dma_start3A_171 = tpu.memref_slice %arg10[%add3A_169, %dma_start3A_170] : memref<262144x32xf32, #tpu.memory_space<hbm>> -> memref<512x32xf32, #tpu.memory_space<hbm>>
        %dma_start3A_172 = arith.constant 0 : i32
        %dma_start3A_173 = tpu.memref_slice %arg10[%add3A_169, %dma_start3A_172] : memref<262144x32xf32, #tpu.memory_space<hbm>> -> memref<512x32xf32, #tpu.memory_space<hbm>>
        tpu.enqueue_dma source(%arg17 : memref<512x32xf32, #tpu.memory_space<vmem>>) target(%dma_start3A_173 : memref<512x32xf32, #tpu.memory_space<hbm>>) target_semaphore(%run_scoped3A : memref<!tpu.dma_semaphore, #tpu.memory_space<semaphore_mem>>)
        %dma_wait3A_174 = arith.constant 0 : i32
        %dma_wait3A_175 = tpu.memref_slice %arg10[%add3A_169, %dma_wait3A_174] : memref<262144x32xf32, #tpu.memory_space<hbm>> -> memref<512x32xf32, #tpu.memory_space<hbm>>
        %dma_wait3A_176 = arith.constant 0 : i32
        %dma_wait3A_177 = tpu.memref_slice %arg10[%add3A_169, %dma_wait3A_176] : memref<262144x32xf32, #tpu.memory_space<hbm>> -> memref<512x32xf32, #tpu.memory_space<hbm>>
        tpu.wait_dma2 semaphore(%run_scoped3A : memref<!tpu.dma_semaphore, #tpu.memory_space<semaphore_mem>>) src(%arg17 : memref<512x32xf32, #tpu.memory_space<vmem>>) dst(%dma_wait3A_177 : memref<512x32xf32, #tpu.memory_space<hbm>>)
        tpu.yield
      }) : () -> ()
    }
    %scan3A_11 = arith.constant 16 : i32
    "tpu.region"() ({
      %run_scoped3A = tpu.sem_alloc : memref<!tpu.dma_semaphore, #tpu.memory_space<semaphore_mem>>
      %dma_start3A_76 = arith.constant 0 : i32
      %dma_start3A_77 = arith.constant 0 : i32
      %dma_start3A_78 = tpu.memref_slice %arg6[%add3A, %dma_start3A_76, %dma_start3A_77] : memref<32x1x128xi32, #tpu.memory_space<hbm>> -> memref<1x1x128xi32, #tpu.memory_space<hbm>>
      %dma_start3A_79 = tpu.memref_squeeze %dma_start3A_78 : memref<1x1x128xi32, #tpu.memory_space<hbm>> -> memref<1x128xi32, #tpu.memory_space<hbm>>
      %dma_start3A_80 = arith.constant 0 : i32
      %dma_start3A_81 = arith.constant 0 : i32
      %dma_start3A_82 = tpu.memref_slice %arg6[%add3A, %dma_start3A_80, %dma_start3A_81] : memref<32x1x128xi32, #tpu.memory_space<hbm>> -> memref<1x1x128xi32, #tpu.memory_space<hbm>>
      %dma_start3A_83 = tpu.memref_squeeze %dma_start3A_82 : memref<1x1x128xi32, #tpu.memory_space<hbm>> -> memref<1x128xi32, #tpu.memory_space<hbm>>
      tpu.enqueue_dma source(%dma_start3A_83 : memref<1x128xi32, #tpu.memory_space<hbm>>) target(%arg16 : memref<1x128xi32, #tpu.memory_space<vmem>>) target_semaphore(%run_scoped3A : memref<!tpu.dma_semaphore, #tpu.memory_space<semaphore_mem>>)
      %dma_wait3A_84 = arith.constant 0 : i32
      %dma_wait3A_85 = arith.constant 0 : i32
      %dma_wait3A_86 = tpu.memref_slice %arg6[%add3A, %dma_wait3A_84, %dma_wait3A_85] : memref<32x1x128xi32, #tpu.memory_space<hbm>> -> memref<1x1x128xi32, #tpu.memory_space<hbm>>
      %dma_wait3A_87 = tpu.memref_squeeze %dma_wait3A_86 : memref<1x1x128xi32, #tpu.memory_space<hbm>> -> memref<1x128xi32, #tpu.memory_space<hbm>>
      %dma_wait3A_88 = arith.constant 0 : i32
      %dma_wait3A_89 = arith.constant 0 : i32
      %dma_wait3A_90 = tpu.memref_slice %arg6[%add3A, %dma_wait3A_88, %dma_wait3A_89] : memref<32x1x128xi32, #tpu.memory_space<hbm>> -> memref<1x1x128xi32, #tpu.memory_space<hbm>>
      %dma_wait3A_91 = tpu.memref_squeeze %dma_wait3A_90 : memref<1x1x128xi32, #tpu.memory_space<hbm>> -> memref<1x128xi32, #tpu.memory_space<hbm>>
      tpu.wait_dma2 semaphore(%run_scoped3A : memref<!tpu.dma_semaphore, #tpu.memory_space<semaphore_mem>>) src(%dma_wait3A_91 : memref<1x128xi32, #tpu.memory_space<hbm>>) dst(%arg16 : memref<1x128xi32, #tpu.memory_space<vmem>>)
      tpu.yield
    }) : () -> ()
    %dma_start3A = arith.constant 0 : i32
    %dma_start3A_12 = arith.constant 0 : i32
    %dma_start3A_13 = arith.constant 0 : i32
    %dma_start3A_14 = tpu.memref_slice %arg17[%dma_start3A_12, %dma_start3A_13] : memref<512x32xf32, #tpu.memory_space<vmem>> -> memref<128x32xf32, #tpu.memory_space<vmem>>
    %dma_start3A_15 = arith.constant 0 : i32
    %dma_start3A_16 = tpu.memref_slice %arg16[%dma_start3A, %dma_start3A_15] : memref<1x128xi32, #tpu.memory_space<vmem>> -> memref<1x128xi32, #tpu.memory_space<vmem>>
    %dma_start3A_17 = tpu.memref_squeeze %dma_start3A_16 : memref<1x128xi32, #tpu.memory_space<vmem>> -> memref<128xi32, #tpu.memory_space<vmem>>
    %dma_start3A_18 = arith.constant 0 : i32
    %dma_start3A_19 = arith.constant 0 : i32
    %dma_start3A_20 = tpu.memref_slice %arg3[%dma_start3A_18, %dma_start3A_19] : memref<100000x32xf32, #tpu.memory_space<hbm>> -> memref<100000x32xf32, #tpu.memory_space<hbm>>
    tpu.enqueue_indirect_dma source(%dma_start3A_20 : memref<100000x32xf32, #tpu.memory_space<hbm>>) target(%dma_start3A_14 : memref<128x32xf32, #tpu.memory_space<vmem>>) offsets(%dma_start3A_17 : memref<128xi32, #tpu.memory_space<vmem>>) semaphore(%arg18 : memref<!tpu.dma_semaphore, #tpu.memory_space<semaphore_mem>>)
    %dma_wait3A = arith.constant 0 : i32
    %dma_wait3A_21 = arith.constant 0 : i32
    %dma_wait3A_22 = arith.constant 0 : i32
    %dma_wait3A_23 = tpu.memref_slice %arg17[%dma_wait3A_21, %dma_wait3A_22] : memref<512x32xf32, #tpu.memory_space<vmem>> -> memref<128x32xf32, #tpu.memory_space<vmem>>
    %dma_wait3A_24 = arith.constant 0 : i32
    %dma_wait3A_25 = tpu.memref_slice %arg16[%dma_wait3A, %dma_wait3A_24] : memref<1x128xi32, #tpu.memory_space<vmem>> -> memref<1x128xi32, #tpu.memory_space<vmem>>
    %dma_wait3A_26 = tpu.memref_squeeze %dma_wait3A_25 : memref<1x128xi32, #tpu.memory_space<vmem>> -> memref<128xi32, #tpu.memory_space<vmem>>
    %dma_wait3A_27 = arith.constant 0 : i32
    %dma_wait3A_28 = arith.constant 0 : i32
    %dma_wait3A_29 = tpu.memref_slice %arg3[%dma_wait3A_27, %dma_wait3A_28] : memref<100000x32xf32, #tpu.memory_space<hbm>> -> memref<100000x32xf32, #tpu.memory_space<hbm>>
    tpu.wait_indirect_dma semaphore(%arg18 : memref<!tpu.dma_semaphore, #tpu.memory_space<semaphore_mem>>) src(%dma_wait3A_29 : memref<100000x32xf32, #tpu.memory_space<hbm>>) dst(%dma_wait3A_23 : memref<128x32xf32, #tpu.memory_space<vmem>>)
    %mul3A_30 = arith.constant 128 : i32
    %mul3A_31 = arith.muli %add3A, %mul3A_30 : i32
    "tpu.region"() ({
      %run_scoped3A = tpu.sem_alloc : memref<!tpu.dma_semaphore, #tpu.memory_space<semaphore_mem>>
      %dma_start3A_76 = arith.constant 0 : i32
      %dma_start3A_77 = arith.constant 0 : i32
      %dma_start3A_78 = tpu.memref_slice %arg17[%dma_start3A_76, %dma_start3A_77] : memref<512x32xf32, #tpu.memory_space<vmem>> -> memref<128x32xf32, #tpu.memory_space<vmem>>
      %dma_start3A_79 = arith.constant 0 : i32
      %dma_start3A_80 = tpu.memref_slice %arg11[%mul3A_31, %dma_start3A_79] : memref<4096x32xf32, #tpu.memory_space<hbm>> -> memref<128x32xf32, #tpu.memory_space<hbm>>
      %dma_start3A_81 = arith.constant 0 : i32
      %dma_start3A_82 = tpu.memref_slice %arg11[%mul3A_31, %dma_start3A_81] : memref<4096x32xf32, #tpu.memory_space<hbm>> -> memref<128x32xf32, #tpu.memory_space<hbm>>
      %dma_start3A_83 = arith.constant 0 : i32
      %dma_start3A_84 = arith.constant 0 : i32
      %dma_start3A_85 = tpu.memref_slice %arg17[%dma_start3A_83, %dma_start3A_84] : memref<512x32xf32, #tpu.memory_space<vmem>> -> memref<128x32xf32, #tpu.memory_space<vmem>>
      tpu.enqueue_dma source(%dma_start3A_85 : memref<128x32xf32, #tpu.memory_space<vmem>>) target(%dma_start3A_82 : memref<128x32xf32, #tpu.memory_space<hbm>>) target_semaphore(%run_scoped3A : memref<!tpu.dma_semaphore, #tpu.memory_space<semaphore_mem>>)
      %dma_wait3A_86 = arith.constant 0 : i32
      %dma_wait3A_87 = arith.constant 0 : i32
      %dma_wait3A_88 = tpu.memref_slice %arg17[%dma_wait3A_86, %dma_wait3A_87] : memref<512x32xf32, #tpu.memory_space<vmem>> -> memref<128x32xf32, #tpu.memory_space<vmem>>
      %dma_wait3A_89 = arith.constant 0 : i32
      %dma_wait3A_90 = tpu.memref_slice %arg11[%mul3A_31, %dma_wait3A_89] : memref<4096x32xf32, #tpu.memory_space<hbm>> -> memref<128x32xf32, #tpu.memory_space<hbm>>
      %dma_wait3A_91 = arith.constant 0 : i32
      %dma_wait3A_92 = tpu.memref_slice %arg11[%mul3A_31, %dma_wait3A_91] : memref<4096x32xf32, #tpu.memory_space<hbm>> -> memref<128x32xf32, #tpu.memory_space<hbm>>
      %dma_wait3A_93 = arith.constant 0 : i32
      %dma_wait3A_94 = arith.constant 0 : i32
      %dma_wait3A_95 = tpu.memref_slice %arg17[%dma_wait3A_93, %dma_wait3A_94] : memref<512x32xf32, #tpu.memory_space<vmem>> -> memref<128x32xf32, #tpu.memory_space<vmem>>
      tpu.wait_dma2 semaphore(%run_scoped3A : memref<!tpu.dma_semaphore, #tpu.memory_space<semaphore_mem>>) src(%dma_wait3A_95 : memref<128x32xf32, #tpu.memory_space<vmem>>) dst(%dma_wait3A_92 : memref<128x32xf32, #tpu.memory_space<hbm>>)
      tpu.yield
    }) : () -> ()
    "tpu.region"() ({
      %run_scoped3A = tpu.sem_alloc : memref<!tpu.dma_semaphore, #tpu.memory_space<semaphore_mem>>
      %dma_start3A_76 = arith.constant 0 : i32
      %dma_start3A_77 = arith.constant 0 : i32
      %dma_start3A_78 = tpu.memref_slice %arg7[%add3A, %dma_start3A_76, %dma_start3A_77] : memref<32x1x128xi32, #tpu.memory_space<hbm>> -> memref<1x1x128xi32, #tpu.memory_space<hbm>>
      %dma_start3A_79 = tpu.memref_squeeze %dma_start3A_78 : memref<1x1x128xi32, #tpu.memory_space<hbm>> -> memref<1x128xi32, #tpu.memory_space<hbm>>
      %dma_start3A_80 = arith.constant 0 : i32
      %dma_start3A_81 = arith.constant 0 : i32
      %dma_start3A_82 = tpu.memref_slice %arg7[%add3A, %dma_start3A_80, %dma_start3A_81] : memref<32x1x128xi32, #tpu.memory_space<hbm>> -> memref<1x1x128xi32, #tpu.memory_space<hbm>>
      %dma_start3A_83 = tpu.memref_squeeze %dma_start3A_82 : memref<1x1x128xi32, #tpu.memory_space<hbm>> -> memref<1x128xi32, #tpu.memory_space<hbm>>
      tpu.enqueue_dma source(%dma_start3A_83 : memref<1x128xi32, #tpu.memory_space<hbm>>) target(%arg16 : memref<1x128xi32, #tpu.memory_space<vmem>>) target_semaphore(%run_scoped3A : memref<!tpu.dma_semaphore, #tpu.memory_space<semaphore_mem>>)
      %dma_wait3A_84 = arith.constant 0 : i32
      %dma_wait3A_85 = arith.constant 0 : i32
      %dma_wait3A_86 = tpu.memref_slice %arg7[%add3A, %dma_wait3A_84, %dma_wait3A_85] : memref<32x1x128xi32, #tpu.memory_space<hbm>> -> memref<1x1x128xi32, #tpu.memory_space<hbm>>
      %dma_wait3A_87 = tpu.memref_squeeze %dma_wait3A_86 : memref<1x1x128xi32, #tpu.memory_space<hbm>> -> memref<1x128xi32, #tpu.memory_space<hbm>>
      %dma_wait3A_88 = arith.constant 0 : i32
      %dma_wait3A_89 = arith.constant 0 : i32
      %dma_wait3A_90 = tpu.memref_slice %arg7[%add3A, %dma_wait3A_88, %dma_wait3A_89] : memref<32x1x128xi32, #tpu.memory_space<hbm>> -> memref<1x1x128xi32, #tpu.memory_space<hbm>>
      %dma_wait3A_91 = tpu.memref_squeeze %dma_wait3A_90 : memref<1x1x128xi32, #tpu.memory_space<hbm>> -> memref<1x128xi32, #tpu.memory_space<hbm>>
      tpu.wait_dma2 semaphore(%run_scoped3A : memref<!tpu.dma_semaphore, #tpu.memory_space<semaphore_mem>>) src(%dma_wait3A_91 : memref<1x128xi32, #tpu.memory_space<hbm>>) dst(%arg16 : memref<1x128xi32, #tpu.memory_space<vmem>>)
      tpu.yield
    }) : () -> ()
    %dma_start3A_32 = arith.constant 0 : i32
    %dma_start3A_33 = arith.constant 0 : i32
    %dma_start3A_34 = arith.constant 0 : i32
    %dma_start3A_35 = tpu.memref_slice %arg17[%dma_start3A_33, %dma_start3A_34] : memref<512x32xf32, #tpu.memory_space<vmem>> -> memref<128x32xf32, #tpu.memory_space<vmem>>
    %dma_start3A_36 = arith.constant 0 : i32
    %dma_start3A_37 = tpu.memref_slice %arg16[%dma_start3A_32, %dma_start3A_36] : memref<1x128xi32, #tpu.memory_space<vmem>> -> memref<1x128xi32, #tpu.memory_space<vmem>>
    %dma_start3A_38 = tpu.memref_squeeze %dma_start3A_37 : memref<1x128xi32, #tpu.memory_space<vmem>> -> memref<128xi32, #tpu.memory_space<vmem>>
    %dma_start3A_39 = arith.constant 0 : i32
    %dma_start3A_40 = arith.constant 0 : i32
    %dma_start3A_41 = tpu.memref_slice %arg2[%dma_start3A_39, %dma_start3A_40] : memref<1000000x32xf32, #tpu.memory_space<hbm>> -> memref<1000000x32xf32, #tpu.memory_space<hbm>>
    tpu.enqueue_indirect_dma source(%dma_start3A_41 : memref<1000000x32xf32, #tpu.memory_space<hbm>>) target(%dma_start3A_35 : memref<128x32xf32, #tpu.memory_space<vmem>>) offsets(%dma_start3A_38 : memref<128xi32, #tpu.memory_space<vmem>>) semaphore(%arg18 : memref<!tpu.dma_semaphore, #tpu.memory_space<semaphore_mem>>)
    %dma_wait3A_42 = arith.constant 0 : i32
    %dma_wait3A_43 = arith.constant 0 : i32
    %dma_wait3A_44 = arith.constant 0 : i32
    %dma_wait3A_45 = tpu.memref_slice %arg17[%dma_wait3A_43, %dma_wait3A_44] : memref<512x32xf32, #tpu.memory_space<vmem>> -> memref<128x32xf32, #tpu.memory_space<vmem>>
    %dma_wait3A_46 = arith.constant 0 : i32
    %dma_wait3A_47 = tpu.memref_slice %arg16[%dma_wait3A_42, %dma_wait3A_46] : memref<1x128xi32, #tpu.memory_space<vmem>> -> memref<1x128xi32, #tpu.memory_space<vmem>>
    %dma_wait3A_48 = tpu.memref_squeeze %dma_wait3A_47 : memref<1x128xi32, #tpu.memory_space<vmem>> -> memref<128xi32, #tpu.memory_space<vmem>>
    %dma_wait3A_49 = arith.constant 0 : i32
    %dma_wait3A_50 = arith.constant 0 : i32
    %dma_wait3A_51 = tpu.memref_slice %arg2[%dma_wait3A_49, %dma_wait3A_50] : memref<1000000x32xf32, #tpu.memory_space<hbm>> -> memref<1000000x32xf32, #tpu.memory_space<hbm>>
    tpu.wait_indirect_dma semaphore(%arg18 : memref<!tpu.dma_semaphore, #tpu.memory_space<semaphore_mem>>) src(%dma_wait3A_51 : memref<1000000x32xf32, #tpu.memory_space<hbm>>) dst(%dma_wait3A_45 : memref<128x32xf32, #tpu.memory_space<vmem>>)
    %mul3A_52 = arith.constant 128 : i32
    %mul3A_53 = arith.muli %add3A, %mul3A_52 : i32
    "tpu.region"() ({
      %run_scoped3A = tpu.sem_alloc : memref<!tpu.dma_semaphore, #tpu.memory_space<semaphore_mem>>
      %dma_start3A_76 = arith.constant 0 : i32
      %dma_start3A_77 = arith.constant 0 : i32
      %dma_start3A_78 = tpu.memref_slice %arg17[%dma_start3A_76, %dma_start3A_77] : memref<512x32xf32, #tpu.memory_space<vmem>> -> memref<128x32xf32, #tpu.memory_space<vmem>>
      %dma_start3A_79 = arith.constant 0 : i32
      %dma_start3A_80 = tpu.memref_slice %arg12[%mul3A_53, %dma_start3A_79] : memref<4096x32xf32, #tpu.memory_space<hbm>> -> memref<128x32xf32, #tpu.memory_space<hbm>>
      %dma_start3A_81 = arith.constant 0 : i32
      %dma_start3A_82 = tpu.memref_slice %arg12[%mul3A_53, %dma_start3A_81] : memref<4096x32xf32, #tpu.memory_space<hbm>> -> memref<128x32xf32, #tpu.memory_space<hbm>>
      %dma_start3A_83 = arith.constant 0 : i32
      %dma_start3A_84 = arith.constant 0 : i32
      %dma_start3A_85 = tpu.memref_slice %arg17[%dma_start3A_83, %dma_start3A_84] : memref<512x32xf32, #tpu.memory_space<vmem>> -> memref<128x32xf32, #tpu.memory_space<vmem>>
      tpu.enqueue_dma source(%dma_start3A_85 : memref<128x32xf32, #tpu.memory_space<vmem>>) target(%dma_start3A_82 : memref<128x32xf32, #tpu.memory_space<hbm>>) target_semaphore(%run_scoped3A : memref<!tpu.dma_semaphore, #tpu.memory_space<semaphore_mem>>)
      %dma_wait3A_86 = arith.constant 0 : i32
      %dma_wait3A_87 = arith.constant 0 : i32
      %dma_wait3A_88 = tpu.memref_slice %arg17[%dma_wait3A_86, %dma_wait3A_87] : memref<512x32xf32, #tpu.memory_space<vmem>> -> memref<128x32xf32, #tpu.memory_space<vmem>>
      %dma_wait3A_89 = arith.constant 0 : i32
      %dma_wait3A_90 = tpu.memref_slice %arg12[%mul3A_53, %dma_wait3A_89] : memref<4096x32xf32, #tpu.memory_space<hbm>> -> memref<128x32xf32, #tpu.memory_space<hbm>>
      %dma_wait3A_91 = arith.constant 0 : i32
      %dma_wait3A_92 = tpu.memref_slice %arg12[%mul3A_53, %dma_wait3A_91] : memref<4096x32xf32, #tpu.memory_space<hbm>> -> memref<128x32xf32, #tpu.memory_space<hbm>>
      %dma_wait3A_93 = arith.constant 0 : i32
      %dma_wait3A_94 = arith.constant 0 : i32
      %dma_wait3A_95 = tpu.memref_slice %arg17[%dma_wait3A_93, %dma_wait3A_94] : memref<512x32xf32, #tpu.memory_space<vmem>> -> memref<128x32xf32, #tpu.memory_space<vmem>>
      tpu.wait_dma2 semaphore(%run_scoped3A : memref<!tpu.dma_semaphore, #tpu.memory_space<semaphore_mem>>) src(%dma_wait3A_95 : memref<128x32xf32, #tpu.memory_space<vmem>>) dst(%dma_wait3A_92 : memref<128x32xf32, #tpu.memory_space<hbm>>)
      tpu.yield
    }) : () -> ()
    "tpu.region"() ({
      %run_scoped3A = tpu.sem_alloc : memref<!tpu.dma_semaphore, #tpu.memory_space<semaphore_mem>>
      %dma_start3A_76 = arith.constant 0 : i32
      %dma_start3A_77 = arith.constant 0 : i32
      %dma_start3A_78 = tpu.memref_slice %arg8[%add3A, %dma_start3A_76, %dma_start3A_77] : memref<32x1x128xi32, #tpu.memory_space<hbm>> -> memref<1x1x128xi32, #tpu.memory_space<hbm>>
      %dma_start3A_79 = tpu.memref_squeeze %dma_start3A_78 : memref<1x1x128xi32, #tpu.memory_space<hbm>> -> memref<1x128xi32, #tpu.memory_space<hbm>>
      %dma_start3A_80 = arith.constant 0 : i32
      %dma_start3A_81 = arith.constant 0 : i32
      %dma_start3A_82 = tpu.memref_slice %arg8[%add3A, %dma_start3A_80, %dma_start3A_81] : memref<32x1x128xi32, #tpu.memory_space<hbm>> -> memref<1x1x128xi32, #tpu.memory_space<hbm>>
      %dma_start3A_83 = tpu.memref_squeeze %dma_start3A_82 : memref<1x1x128xi32, #tpu.memory_space<hbm>> -> memref<1x128xi32, #tpu.memory_space<hbm>>
      tpu.enqueue_dma source(%dma_start3A_83 : memref<1x128xi32, #tpu.memory_space<hbm>>) target(%arg16 : memref<1x128xi32, #tpu.memory_space<vmem>>) target_semaphore(%run_scoped3A : memref<!tpu.dma_semaphore, #tpu.memory_space<semaphore_mem>>)
      %dma_wait3A_84 = arith.constant 0 : i32
      %dma_wait3A_85 = arith.constant 0 : i32
      %dma_wait3A_86 = tpu.memref_slice %arg8[%add3A, %dma_wait3A_84, %dma_wait3A_85] : memref<32x1x128xi32, #tpu.memory_space<hbm>> -> memref<1x1x128xi32, #tpu.memory_space<hbm>>
      %dma_wait3A_87 = tpu.memref_squeeze %dma_wait3A_86 : memref<1x1x128xi32, #tpu.memory_space<hbm>> -> memref<1x128xi32, #tpu.memory_space<hbm>>
      %dma_wait3A_88 = arith.constant 0 : i32
      %dma_wait3A_89 = arith.constant 0 : i32
      %dma_wait3A_90 = tpu.memref_slice %arg8[%add3A, %dma_wait3A_88, %dma_wait3A_89] : memref<32x1x128xi32, #tpu.memory_space<hbm>> -> memref<1x1x128xi32, #tpu.memory_space<hbm>>
      %dma_wait3A_91 = tpu.memref_squeeze %dma_wait3A_90 : memref<1x1x128xi32, #tpu.memory_space<hbm>> -> memref<1x128xi32, #tpu.memory_space<hbm>>
      tpu.wait_dma2 semaphore(%run_scoped3A : memref<!tpu.dma_semaphore, #tpu.memory_space<semaphore_mem>>) src(%dma_wait3A_91 : memref<1x128xi32, #tpu.memory_space<hbm>>) dst(%arg16 : memref<1x128xi32, #tpu.memory_space<vmem>>)
      tpu.yield
    }) : () -> ()
    %dma_start3A_54 = arith.constant 0 : i32
    %dma_start3A_55 = arith.constant 0 : i32
    %dma_start3A_56 = arith.constant 0 : i32
    %dma_start3A_57 = tpu.memref_slice %arg17[%dma_start3A_55, %dma_start3A_56] : memref<512x32xf32, #tpu.memory_space<vmem>> -> memref<128x32xf32, #tpu.memory_space<vmem>>
    %dma_start3A_58 = arith.constant 0 : i32
    %dma_start3A_59 = tpu.memref_slice %arg16[%dma_start3A_54, %dma_start3A_58] : memref<1x128xi32, #tpu.memory_space<vmem>> -> memref<1x128xi32, #tpu.memory_space<vmem>>
    %dma_start3A_60 = tpu.memref_squeeze %dma_start3A_59 : memref<1x128xi32, #tpu.memory_space<vmem>> -> memref<128xi32, #tpu.memory_space<vmem>>
    %dma_start3A_61 = arith.constant 0 : i32
    %dma_start3A_62 = arith.constant 0 : i32
    %dma_start3A_63 = tpu.memref_slice %arg2[%dma_start3A_61, %dma_start3A_62] : memref<1000000x32xf32, #tpu.memory_space<hbm>> -> memref<1000000x32xf32, #tpu.memory_space<hbm>>
    tpu.enqueue_indirect_dma source(%dma_start3A_63 : memref<1000000x32xf32, #tpu.memory_space<hbm>>) target(%dma_start3A_57 : memref<128x32xf32, #tpu.memory_space<vmem>>) offsets(%dma_start3A_60 : memref<128xi32, #tpu.memory_space<vmem>>) semaphore(%arg18 : memref<!tpu.dma_semaphore, #tpu.memory_space<semaphore_mem>>)
    %dma_wait3A_64 = arith.constant 0 : i32
    %dma_wait3A_65 = arith.constant 0 : i32
    %dma_wait3A_66 = arith.constant 0 : i32
    %dma_wait3A_67 = tpu.memref_slice %arg17[%dma_wait3A_65, %dma_wait3A_66] : memref<512x32xf32, #tpu.memory_space<vmem>> -> memref<128x32xf32, #tpu.memory_space<vmem>>
    %dma_wait3A_68 = arith.constant 0 : i32
    %dma_wait3A_69 = tpu.memref_slice %arg16[%dma_wait3A_64, %dma_wait3A_68] : memref<1x128xi32, #tpu.memory_space<vmem>> -> memref<1x128xi32, #tpu.memory_space<vmem>>
    %dma_wait3A_70 = tpu.memref_squeeze %dma_wait3A_69 : memref<1x128xi32, #tpu.memory_space<vmem>> -> memref<128xi32, #tpu.memory_space<vmem>>
    %dma_wait3A_71 = arith.constant 0 : i32
    %dma_wait3A_72 = arith.constant 0 : i32
    %dma_wait3A_73 = tpu.memref_slice %arg2[%dma_wait3A_71, %dma_wait3A_72] : memref<1000000x32xf32, #tpu.memory_space<hbm>> -> memref<1000000x32xf32, #tpu.memory_space<hbm>>
    tpu.wait_indirect_dma semaphore(%arg18 : memref<!tpu.dma_semaphore, #tpu.memory_space<semaphore_mem>>) src(%dma_wait3A_73 : memref<1000000x32xf32, #tpu.memory_space<hbm>>) dst(%dma_wait3A_67 : memref<128x32xf32, #tpu.memory_space<vmem>>)
    %mul3A_74 = arith.constant 128 : i32
    %mul3A_75 = arith.muli %add3A, %mul3A_74 : i32
    "tpu.region"() ({
      %run_scoped3A = tpu.sem_alloc : memref<!tpu.dma_semaphore, #tpu.memory_space<semaphore_mem>>
      %dma_start3A_76 = arith.constant 0 : i32
      %dma_start3A_77 = arith.constant 0 : i32
      %dma_start3A_78 = tpu.memref_slice %arg17[%dma_start3A_76, %dma_start3A_77] : memref<512x32xf32, #tpu.memory_space<vmem>> -> memref<128x32xf32, #tpu.memory_space<vmem>>
      %dma_start3A_79 = arith.constant 0 : i32
      %dma_start3A_80 = tpu.memref_slice %arg13[%mul3A_75, %dma_start3A_79] : memref<4096x32xf32, #tpu.memory_space<hbm>> -> memref<128x32xf32, #tpu.memory_space<hbm>>
      %dma_start3A_81 = arith.constant 0 : i32
      %dma_start3A_82 = tpu.memref_slice %arg13[%mul3A_75, %dma_start3A_81] : memref<4096x32xf32, #tpu.memory_space<hbm>> -> memref<128x32xf32, #tpu.memory_space<hbm>>
      %dma_start3A_83 = arith.constant 0 : i32
      %dma_start3A_84 = arith.constant 0 : i32
      %dma_start3A_85 = tpu.memref_slice %arg17[%dma_start3A_83, %dma_start3A_84] : memref<512x32xf32, #tpu.memory_space<vmem>> -> memref<128x32xf32, #tpu.memory_space<vmem>>
      tpu.enqueue_dma source(%dma_start3A_85 : memref<128x32xf32, #tpu.memory_space<vmem>>) target(%dma_start3A_82 : memref<128x32xf32, #tpu.memory_space<hbm>>) target_semaphore(%run_scoped3A : memref<!tpu.dma_semaphore, #tpu.memory_space<semaphore_mem>>)
      %dma_wait3A_86 = arith.constant 0 : i32
      %dma_wait3A_87 = arith.constant 0 : i32
      %dma_wait3A_88 = tpu.memref_slice %arg17[%dma_wait3A_86, %dma_wait3A_87] : memref<512x32xf32, #tpu.memory_space<vmem>> -> memref<128x32xf32, #tpu.memory_space<vmem>>
      %dma_wait3A_89 = arith.constant 0 : i32
      %dma_wait3A_90 = tpu.memref_slice %arg13[%mul3A_75, %dma_wait3A_89] : memref<4096x32xf32, #tpu.memory_space<hbm>> -> memref<128x32xf32, #tpu.memory_space<hbm>>
      %dma_wait3A_91 = arith.constant 0 : i32
      %dma_wait3A_92 = tpu.memref_slice %arg13[%mul3A_75, %dma_wait3A_91] : memref<4096x32xf32, #tpu.memory_space<hbm>> -> memref<128x32xf32, #tpu.memory_space<hbm>>
      %dma_wait3A_93 = arith.constant 0 : i32
      %dma_wait3A_94 = arith.constant 0 : i32
      %dma_wait3A_95 = tpu.memref_slice %arg17[%dma_wait3A_93, %dma_wait3A_94] : memref<512x32xf32, #tpu.memory_space<vmem>> -> memref<128x32xf32, #tpu.memory_space<vmem>>
      tpu.wait_dma2 semaphore(%run_scoped3A : memref<!tpu.dma_semaphore, #tpu.memory_space<semaphore_mem>>) src(%dma_wait3A_95 : memref<128x32xf32, #tpu.memory_space<vmem>>) dst(%dma_wait3A_92 : memref<128x32xf32, #tpu.memory_space<hbm>>)
      tpu.yield
    }) : () -> ()
    return
  }
}

module attributes {stable_mosaic.version = 14 : i64} {
  func.func @_tc_forward_body(%arg0: i32, %arg1: memref<128x56x128xf32, #tpu.memory_space<vmem>>, %arg2: memref<128x56x4xi32, #tpu.memory_space<vmem>>, %arg3: memref<128x16x128xf32, #tpu.memory_space<vmem>>, %arg4: memref<128x16x4xi32, #tpu.memory_space<vmem>>, %arg5: memref<128x32xf32, #tpu.memory_space<vmem>>, %arg6: memref<128x32xf32, #tpu.memory_space<vmem>>, %arg7: memref<128x32xf32, #tpu.memory_space<vmem>>, %arg8: memref<128x128xf32, #tpu.memory_space<vmem>>, %arg9: memref<32x32xf32, #tpu.memory_space<vmem>>, %arg10: memref<1x32xf32, #tpu.memory_space<vmem>>, %arg11: memref<128x4xf32, #tpu.memory_space<vmem>>, %arg12: memref<128x128xf32, #tpu.memory_space<vmem>>, %arg13: memref<32x32xf32, #tpu.memory_space<vmem>>, %arg14: memref<1x32xf32, #tpu.memory_space<vmem>>, %arg15: memref<128x4xf32, #tpu.memory_space<vmem>>, %arg16: memref<4x128xf32, #tpu.memory_space<vmem>>, %arg17: memref<128x32xf32, #tpu.memory_space<vmem>>, %arg18: memref<64x32xf32, #tpu.memory_space<vmem>>, %arg19: memref<1x32xf32, #tpu.memory_space<vmem>>, %arg20: memref<64x32xf32, #tpu.memory_space<vmem>>, %arg21: memref<1x32xf32, #tpu.memory_space<vmem>>, %arg22: memref<32x32xf32, #tpu.memory_space<vmem>>, %arg23: memref<1x32xf32, #tpu.memory_space<vmem>>, %arg24: memref<32x32xf32, #tpu.memory_space<vmem>>, %arg25: memref<1x32xf32, #tpu.memory_space<vmem>>, %arg26: memref<32x32xf32, #tpu.memory_space<vmem>>, %arg27: memref<1x32xf32, #tpu.memory_space<vmem>>, %arg28: memref<32x32xf32, #tpu.memory_space<vmem>>, %arg29: memref<1x32xf32, #tpu.memory_space<vmem>>, %arg30: memref<64x32xf32, #tpu.memory_space<vmem>>, %arg31: memref<1x32xf32, #tpu.memory_space<vmem>>, %arg32: memref<32x32xf32, #tpu.memory_space<vmem>>, %arg33: memref<1x32xf32, #tpu.memory_space<vmem>>, %arg34: memref<1x32xf32, #tpu.memory_space<vmem>>, %arg35: memref<1x1xf32, #tpu.memory_space<vmem>>, %arg36: memref<128x1xf32, #tpu.memory_space<vmem>>, %arg37: memref<128x1xf32, #tpu.memory_space<vmem>>) attributes {dimension_semantics = [#tpu.dimension_semantics<arbitrary>], iteration_bounds = array<i64: 32>, scalar_prefetch = 0 : i64, scratch_operands = 0 : i64, tpu.core_type = #tpu.core_type<tc>, window_params = [{transform_indices = @transform_0, window_bounds = array<i64: 128, 56, 128>}, {transform_indices = @transform_1, window_bounds = array<i64: 128, 56, 4>}, {transform_indices = @transform_2, window_bounds = array<i64: 128, 16, 128>}, {transform_indices = @transform_3, window_bounds = array<i64: 128, 16, 4>}, {transform_indices = @transform_4, window_bounds = array<i64: 128, 32>}, {transform_indices = @transform_5, window_bounds = array<i64: 128, 32>}, {transform_indices = @transform_6, window_bounds = array<i64: 128, 32>}, {pipeline_mode = #tpu.pipeline_mode<synchronous>, transform_indices = @transform_7, window_bounds = array<i64: 128, 128>}, {pipeline_mode = #tpu.pipeline_mode<synchronous>, transform_indices = @transform_8, window_bounds = array<i64: 32, 32>}, {pipeline_mode = #tpu.pipeline_mode<synchronous>, transform_indices = @transform_9, window_bounds = array<i64: 1, 32>}, {pipeline_mode = #tpu.pipeline_mode<synchronous>, transform_indices = @transform_10, window_bounds = array<i64: 128, 4>}, {pipeline_mode = #tpu.pipeline_mode<synchronous>, transform_indices = @transform_11, window_bounds = array<i64: 128, 128>}, {pipeline_mode = #tpu.pipeline_mode<synchronous>, transform_indices = @transform_12, window_bounds = array<i64: 32, 32>}, {pipeline_mode = #tpu.pipeline_mode<synchronous>, transform_indices = @transform_13, window_bounds = array<i64: 1, 32>}, {pipeline_mode = #tpu.pipeline_mode<synchronous>, transform_indices = @transform_14, window_bounds = array<i64: 128, 4>}, {pipeline_mode = #tpu.pipeline_mode<synchronous>, transform_indices = @transform_15, window_bounds = array<i64: 4, 128>}, {pipeline_mode = #tpu.pipeline_mode<synchronous>, transform_indices = @transform_16, window_bounds = array<i64: 128, 32>}, {pipeline_mode = #tpu.pipeline_mode<synchronous>, transform_indices = @transform_17, window_bounds = array<i64: 64, 32>}, {pipeline_mode = #tpu.pipeline_mode<synchronous>, transform_indices = @transform_18, window_bounds = array<i64: 1, 32>}, {pipeline_mode = #tpu.pipeline_mode<synchronous>, transform_indices = @transform_19, window_bounds = array<i64: 64, 32>}, {pipeline_mode = #tpu.pipeline_mode<synchronous>, transform_indices = @transform_20, window_bounds = array<i64: 1, 32>}, {pipeline_mode = #tpu.pipeline_mode<synchronous>, transform_indices = @transform_21, window_bounds = array<i64: 32, 32>}, {pipeline_mode = #tpu.pipeline_mode<synchronous>, transform_indices = @transform_22, window_bounds = array<i64: 1, 32>}, {pipeline_mode = #tpu.pipeline_mode<synchronous>, transform_indices = @transform_23, window_bounds = array<i64: 32, 32>}, {pipeline_mode = #tpu.pipeline_mode<synchronous>, transform_indices = @transform_24, window_bounds = array<i64: 1, 32>}, {pipeline_mode = #tpu.pipeline_mode<synchronous>, transform_indices = @transform_25, window_bounds = array<i64: 32, 32>}, {pipeline_mode = #tpu.pipeline_mode<synchronous>, transform_indices = @transform_26, window_bounds = array<i64: 1, 32>}, {pipeline_mode = #tpu.pipeline_mode<synchronous>, transform_indices = @transform_27, window_bounds = array<i64: 32, 32>}, {pipeline_mode = #tpu.pipeline_mode<synchronous>, transform_indices = @transform_28, window_bounds = array<i64: 1, 32>}, {pipeline_mode = #tpu.pipeline_mode<synchronous>, transform_indices = @transform_29, window_bounds = array<i64: 64, 32>}, {pipeline_mode = #tpu.pipeline_mode<synchronous>, transform_indices = @transform_30, window_bounds = array<i64: 1, 32>}, {pipeline_mode = #tpu.pipeline_mode<synchronous>, transform_indices = @transform_31, window_bounds = array<i64: 32, 32>}, {pipeline_mode = #tpu.pipeline_mode<synchronous>, transform_indices = @transform_32, window_bounds = array<i64: 1, 32>}, {pipeline_mode = #tpu.pipeline_mode<synchronous>, transform_indices = @transform_33, window_bounds = array<i64: 1, 32>}, {pipeline_mode = #tpu.pipeline_mode<synchronous>, transform_indices = @transform_34, window_bounds = array<i64: 1, 1>}, {transform_indices = @transform_35, window_bounds = array<i64: 128, 1>}, {transform_indices = @transform_36, window_bounds = array<i64: 128, 1>}]} {
    %get3A = arith.constant 0 : index
    %get3A_0 = arith.constant 0 : index
    %get3A_1 = vector.load %arg5[%get3A, %get3A_0] : memref<128x32xf32, #tpu.memory_space<vmem>>, vector<128x32xf32>
    %get3A_2 = arith.constant 0 : index
    %get3A_3 = arith.constant 0 : index
    %get3A_4 = arith.constant 0 : index
    %get3A_5 = vector.load %arg1[%get3A_2, %get3A_3, %get3A_4] : memref<128x56x128xf32, #tpu.memory_space<vmem>>, vector<128x56x128xf32>
    %get3A_6 = arith.constant 0 : index
    %get3A_7 = arith.constant 0 : index
    %get3A_8 = arith.constant 0 : index
    %get3A_9 = vector.load %arg2[%get3A_6, %get3A_7, %get3A_8] : memref<128x56x4xi32, #tpu.memory_space<vmem>>, vector<128x56x4xi32>
    %get3A_10 = arith.constant 0 : index
    %get3A_11 = arith.constant 0 : index
    %get3A_12 = vector.load %arg8[%get3A_10, %get3A_11] : memref<128x128xf32, #tpu.memory_space<vmem>>, vector<128x128xf32>
    %get3A_13 = arith.constant 0 : index
    %get3A_14 = arith.constant 0 : index
    %get3A_15 = vector.load %arg9[%get3A_13, %get3A_14] : memref<32x32xf32, #tpu.memory_space<vmem>>, vector<32x32xf32>
    %get3A_16 = arith.constant 0 : index
    %get3A_17 = arith.constant 0 : index
    %get3A_18 = vector.load %arg10[%get3A_16, %get3A_17] : memref<1x32xf32, #tpu.memory_space<vmem>>, vector<1x32xf32>
    %get3A_19 = arith.constant 0 : index
    %get3A_20 = arith.constant 0 : index
    %get3A_21 = vector.load %arg11[%get3A_19, %get3A_20] : memref<128x4xf32, #tpu.memory_space<vmem>>, vector<128x4xf32>
    %dot_general3A = arith.constant dense<0.000000e+00> : vector<128x32xf32>
    %dot_general3A_22 = tpu.matmul %get3A_1, %get3A_15, %dot_general3A {dimension_numbers = #tpu.dot_dimension_numbers<[1], [0], [0], [1], [0, 0, 1, 1], [], []>, transpose_lhs_hint = false} : vector<128x32xf32>, vector<32x32xf32>, vector<128x32xf32> -> vector<128x32xf32>
    %add3A = vector.broadcast %get3A_18 : vector<1x32xf32> to vector<128x32xf32>
    %add3A_23 = arith.addf %dot_general3A_22, %add3A : vector<128x32xf32>
    %concatenate3A = tpu.concatenate %add3A_23, %add3A_23, %add3A_23, %add3A_23 in 1 : vector<128x32xf32>, vector<128x32xf32>, vector<128x32xf32>, vector<128x32xf32> -> vector<128x128xf32>
    %reshape3A = vector.shape_cast %get3A_5 : vector<128x56x128xf32> to vector<7168x128xf32>
    %dot_general3A_24 = arith.constant dense<0.000000e+00> : vector<7168x128xf32>
    %dot_general3A_25 = tpu.matmul %reshape3A, %get3A_12, %dot_general3A_24 {dimension_numbers = #tpu.dot_dimension_numbers<[1], [0], [0], [1], [0, 0, 1, 1], [], []>, transpose_lhs_hint = false} : vector<7168x128xf32>, vector<128x128xf32>, vector<7168x128xf32> -> vector<7168x128xf32>
    %reshape3A_26 = vector.shape_cast %dot_general3A_25 : vector<7168x128xf32> to vector<128x56x128xf32>
    %broadcast_in_dim3A = vector.shape_cast %concatenate3A : vector<128x128xf32> to vector<128x1x128xf32>
    %add3A_27 = vector.broadcast %broadcast_in_dim3A : vector<128x1x128xf32> to vector<128x56x128xf32>
    %add3A_28 = arith.addf %reshape3A_26, %add3A_27 : vector<128x56x128xf32>
    %max3A = arith.constant 0.000000e+00 : f32
    %max3A_29 = vector.broadcast %max3A : f32 to vector<128x56x128xf32>
    %max3A_30 = arith.maximumf %add3A_28, %max3A_29 : vector<128x56x128xf32>
    %reshape3A_31 = vector.shape_cast %max3A_30 : vector<128x56x128xf32> to vector<7168x128xf32>
    %dot_general3A_32 = arith.constant dense<0.000000e+00> : vector<7168x4xf32>
    %dot_general3A_33 = tpu.matmul %reshape3A_31, %get3A_21, %dot_general3A_32 {dimension_numbers = #tpu.dot_dimension_numbers<[1], [0], [0], [1], [0, 0, 1, 1], [], []>, transpose_lhs_hint = false} : vector<7168x128xf32>, vector<128x4xf32>, vector<7168x4xf32> -> vector<7168x4xf32>
    %reshape3A_34 = vector.shape_cast %dot_general3A_33 : vector<7168x4xf32> to vector<128x56x4xf32>
    %exp3A = math.exp %reshape3A_34 : vector<128x56x4xf32>
    %ne3A = arith.constant 0 : i32
    %ne3A_35 = vector.broadcast %ne3A : i32 to vector<128x56x4xi32>
    %ne3A_36 = arith.cmpi ne, %get3A_9, %ne3A_35 : vector<128x56x4xi32>
    %convert_element_type3A = arith.extui %ne3A_36 : vector<128x56x4xi1> to vector<128x56x4xi32>
    %convert_element_type3A_37 = arith.sitofp %convert_element_type3A : vector<128x56x4xi32> to vector<128x56x4xf32>
    %mul3A = arith.mulf %exp3A, %convert_element_type3A_37 : vector<128x56x4xf32>
    %reduce_sum3A = arith.constant dense<0.000000e+00> : vector<128x4xf32>
    %reduce_sum3A_38 = vector.multi_reduction <add>, %mul3A, %reduce_sum3A [1] : vector<128x56x4xf32> to vector<128x4xf32>
    %reduce_sum3A_39 = arith.constant dense<0.000000e+00> : vector<128xf32>
    %reduce_sum3A_40 = vector.multi_reduction <add>, %reduce_sum3A_38, %reduce_sum3A_39 [1] : vector<128x4xf32> to vector<128xf32>
    %broadcast_in_dim3A_41 = vector.shape_cast %reduce_sum3A_40 : vector<128xf32> to vector<128x1xf32>
    %reshape3A_42 = vector.shape_cast %mul3A : vector<128x56x4xf32> to vector<7168x4xf32>
    %get3A_43 = arith.constant 0 : index
    %get3A_44 = arith.constant 0 : index
    %get3A_45 = vector.load %arg16[%get3A_43, %get3A_44] : memref<4x128xf32, #tpu.memory_space<vmem>>, vector<4x128xf32>
    %dot_general3A_46 = arith.constant dense<0.000000e+00> : vector<7168x128xf32>
    %dot_general3A_47 = tpu.matmul %reshape3A_42, %get3A_45, %dot_general3A_46 {dimension_numbers = #tpu.dot_dimension_numbers<[1], [0], [0], [1], [0, 0, 1, 1], [], []>, transpose_lhs_hint = false} : vector<7168x4xf32>, vector<4x128xf32>, vector<7168x128xf32> -> vector<7168x128xf32>
    %reshape3A_48 = vector.shape_cast %dot_general3A_47 : vector<7168x128xf32> to vector<128x56x128xf32>
    %mul3A_49 = arith.mulf %reshape3A_48, %get3A_5 : vector<128x56x128xf32>
    %reduce_sum3A_50 = arith.constant dense<0.000000e+00> : vector<128x128xf32>
    %reduce_sum3A_51 = vector.multi_reduction <add>, %mul3A_49, %reduce_sum3A_50 [1] : vector<128x56x128xf32> to vector<128x128xf32>
    %get3A_52 = arith.constant 0 : index
    %get3A_53 = arith.constant 0 : index
    %get3A_54 = vector.load %arg17[%get3A_52, %get3A_53] : memref<128x32xf32, #tpu.memory_space<vmem>>, vector<128x32xf32>
    %dot_general3A_55 = arith.constant dense<0.000000e+00> : vector<128x32xf32>
    %dot_general3A_56 = tpu.matmul %reduce_sum3A_51, %get3A_54, %dot_general3A_55 {dimension_numbers = #tpu.dot_dimension_numbers<[1], [0], [0], [1], [0, 0, 1, 1], [], []>, transpose_lhs_hint = false} : vector<128x128xf32>, vector<128x32xf32>, vector<128x32xf32> -> vector<128x32xf32>
    %max3A_57 = arith.constant 1.000000e-35 : f32
    %max3A_58 = vector.broadcast %max3A_57 : f32 to vector<128x1xf32>
    %max3A_59 = arith.maximumf %broadcast_in_dim3A_41, %max3A_58 : vector<128x1xf32>
    %div3A = vector.broadcast %max3A_59 : vector<128x1xf32> to vector<128x32xf32>
    %div3A_60 = arith.divf %dot_general3A_56, %div3A : vector<128x32xf32>
    %get3A_61 = arith.constant 0 : index
    %get3A_62 = arith.constant 0 : index
    %get3A_63 = arith.constant 0 : index
    %get3A_64 = vector.load %arg3[%get3A_61, %get3A_62, %get3A_63] : memref<128x16x128xf32, #tpu.memory_space<vmem>>, vector<128x16x128xf32>
    %get3A_65 = arith.constant 0 : index
    %get3A_66 = arith.constant 0 : index
    %get3A_67 = arith.constant 0 : index
    %get3A_68 = vector.load %arg4[%get3A_65, %get3A_66, %get3A_67] : memref<128x16x4xi32, #tpu.memory_space<vmem>>, vector<128x16x4xi32>
    %get3A_69 = arith.constant 0 : index
    %get3A_70 = arith.constant 0 : index
    %get3A_71 = vector.load %arg12[%get3A_69, %get3A_70] : memref<128x128xf32, #tpu.memory_space<vmem>>, vector<128x128xf32>
    %get3A_72 = arith.constant 0 : index
    %get3A_73 = arith.constant 0 : index
    %get3A_74 = vector.load %arg13[%get3A_72, %get3A_73] : memref<32x32xf32, #tpu.memory_space<vmem>>, vector<32x32xf32>
    %get3A_75 = arith.constant 0 : index
    %get3A_76 = arith.constant 0 : index
    %get3A_77 = vector.load %arg14[%get3A_75, %get3A_76] : memref<1x32xf32, #tpu.memory_space<vmem>>, vector<1x32xf32>
    %get3A_78 = arith.constant 0 : index
    %get3A_79 = arith.constant 0 : index
    %get3A_80 = vector.load %arg15[%get3A_78, %get3A_79] : memref<128x4xf32, #tpu.memory_space<vmem>>, vector<128x4xf32>
    %dot_general3A_81 = arith.constant dense<0.000000e+00> : vector<128x32xf32>
    %dot_general3A_82 = tpu.matmul %get3A_1, %get3A_74, %dot_general3A_81 {dimension_numbers = #tpu.dot_dimension_numbers<[1], [0], [0], [1], [0, 0, 1, 1], [], []>, transpose_lhs_hint = false} : vector<128x32xf32>, vector<32x32xf32>, vector<128x32xf32> -> vector<128x32xf32>
    %add3A_83 = vector.broadcast %get3A_77 : vector<1x32xf32> to vector<128x32xf32>
    %add3A_84 = arith.addf %dot_general3A_82, %add3A_83 : vector<128x32xf32>
    %concatenate3A_85 = tpu.concatenate %add3A_84, %add3A_84, %add3A_84, %add3A_84 in 1 : vector<128x32xf32>, vector<128x32xf32>, vector<128x32xf32>, vector<128x32xf32> -> vector<128x128xf32>
    %reshape3A_86 = vector.shape_cast %get3A_64 : vector<128x16x128xf32> to vector<2048x128xf32>
    %dot_general3A_87 = arith.constant dense<0.000000e+00> : vector<2048x128xf32>
    %dot_general3A_88 = tpu.matmul %reshape3A_86, %get3A_71, %dot_general3A_87 {dimension_numbers = #tpu.dot_dimension_numbers<[1], [0], [0], [1], [0, 0, 1, 1], [], []>, transpose_lhs_hint = false} : vector<2048x128xf32>, vector<128x128xf32>, vector<2048x128xf32> -> vector<2048x128xf32>
    %reshape3A_89 = vector.shape_cast %dot_general3A_88 : vector<2048x128xf32> to vector<128x16x128xf32>
    %broadcast_in_dim3A_90 = vector.shape_cast %concatenate3A_85 : vector<128x128xf32> to vector<128x1x128xf32>
    %add3A_91 = vector.broadcast %broadcast_in_dim3A_90 : vector<128x1x128xf32> to vector<128x16x128xf32>
    %add3A_92 = arith.addf %reshape3A_89, %add3A_91 : vector<128x16x128xf32>
    %max3A_93 = arith.constant 0.000000e+00 : f32
    %max3A_94 = vector.broadcast %max3A_93 : f32 to vector<128x16x128xf32>
    %max3A_95 = arith.maximumf %add3A_92, %max3A_94 : vector<128x16x128xf32>
    %reshape3A_96 = vector.shape_cast %max3A_95 : vector<128x16x128xf32> to vector<2048x128xf32>
    %dot_general3A_97 = arith.constant dense<0.000000e+00> : vector<2048x4xf32>
    %dot_general3A_98 = tpu.matmul %reshape3A_96, %get3A_80, %dot_general3A_97 {dimension_numbers = #tpu.dot_dimension_numbers<[1], [0], [0], [1], [0, 0, 1, 1], [], []>, transpose_lhs_hint = false} : vector<2048x128xf32>, vector<128x4xf32>, vector<2048x4xf32> -> vector<2048x4xf32>
    %reshape3A_99 = vector.shape_cast %dot_general3A_98 : vector<2048x4xf32> to vector<128x16x4xf32>
    %exp3A_100 = math.exp %reshape3A_99 : vector<128x16x4xf32>
    %ne3A_101 = arith.constant 0 : i32
    %ne3A_102 = vector.broadcast %ne3A_101 : i32 to vector<128x16x4xi32>
    %ne3A_103 = arith.cmpi ne, %get3A_68, %ne3A_102 : vector<128x16x4xi32>
    %convert_element_type3A_104 = arith.extui %ne3A_103 : vector<128x16x4xi1> to vector<128x16x4xi32>
    %convert_element_type3A_105 = arith.sitofp %convert_element_type3A_104 : vector<128x16x4xi32> to vector<128x16x4xf32>
    %mul3A_106 = arith.mulf %exp3A_100, %convert_element_type3A_105 : vector<128x16x4xf32>
    %reduce_sum3A_107 = arith.constant dense<0.000000e+00> : vector<128x4xf32>
    %reduce_sum3A_108 = vector.multi_reduction <add>, %mul3A_106, %reduce_sum3A_107 [1] : vector<128x16x4xf32> to vector<128x4xf32>
    %reduce_sum3A_109 = arith.constant dense<0.000000e+00> : vector<128xf32>
    %reduce_sum3A_110 = vector.multi_reduction <add>, %reduce_sum3A_108, %reduce_sum3A_109 [1] : vector<128x4xf32> to vector<128xf32>
    %broadcast_in_dim3A_111 = vector.shape_cast %reduce_sum3A_110 : vector<128xf32> to vector<128x1xf32>
    %reshape3A_112 = vector.shape_cast %mul3A_106 : vector<128x16x4xf32> to vector<2048x4xf32>
    %get3A_113 = arith.constant 0 : index
    %get3A_114 = arith.constant 0 : index
    %get3A_115 = vector.load %arg16[%get3A_113, %get3A_114] : memref<4x128xf32, #tpu.memory_space<vmem>>, vector<4x128xf32>
    %dot_general3A_116 = arith.constant dense<0.000000e+00> : vector<2048x128xf32>
    %dot_general3A_117 = tpu.matmul %reshape3A_112, %get3A_115, %dot_general3A_116 {dimension_numbers = #tpu.dot_dimension_numbers<[1], [0], [0], [1], [0, 0, 1, 1], [], []>, transpose_lhs_hint = false} : vector<2048x4xf32>, vector<4x128xf32>, vector<2048x128xf32> -> vector<2048x128xf32>
    %reshape3A_118 = vector.shape_cast %dot_general3A_117 : vector<2048x128xf32> to vector<128x16x128xf32>
    %mul3A_119 = arith.mulf %reshape3A_118, %get3A_64 : vector<128x16x128xf32>
    %reduce_sum3A_120 = arith.constant dense<0.000000e+00> : vector<128x128xf32>
    %reduce_sum3A_121 = vector.multi_reduction <add>, %mul3A_119, %reduce_sum3A_120 [1] : vector<128x16x128xf32> to vector<128x128xf32>
    %get3A_122 = arith.constant 0 : index
    %get3A_123 = arith.constant 0 : index
    %get3A_124 = vector.load %arg17[%get3A_122, %get3A_123] : memref<128x32xf32, #tpu.memory_space<vmem>>, vector<128x32xf32>
    %dot_general3A_125 = arith.constant dense<0.000000e+00> : vector<128x32xf32>
    %dot_general3A_126 = tpu.matmul %reduce_sum3A_121, %get3A_124, %dot_general3A_125 {dimension_numbers = #tpu.dot_dimension_numbers<[1], [0], [0], [1], [0, 0, 1, 1], [], []>, transpose_lhs_hint = false} : vector<128x128xf32>, vector<128x32xf32>, vector<128x32xf32> -> vector<128x32xf32>
    %max3A_127 = arith.constant 1.000000e-35 : f32
    %max3A_128 = vector.broadcast %max3A_127 : f32 to vector<128x1xf32>
    %max3A_129 = arith.maximumf %broadcast_in_dim3A_111, %max3A_128 : vector<128x1xf32>
    %div3A_130 = vector.broadcast %max3A_129 : vector<128x1xf32> to vector<128x32xf32>
    %div3A_131 = arith.divf %dot_general3A_126, %div3A_130 : vector<128x32xf32>
    %concatenate3A_132 = tpu.concatenate %div3A_60, %div3A_131 in 1 : vector<128x32xf32>, vector<128x32xf32> -> vector<128x64xf32>
    %get3A_133 = arith.constant 0 : index
    %get3A_134 = arith.constant 0 : index
    %get3A_135 = vector.load %arg18[%get3A_133, %get3A_134] : memref<64x32xf32, #tpu.memory_space<vmem>>, vector<64x32xf32>
    %dot_general3A_136 = arith.constant dense<0.000000e+00> : vector<128x32xf32>
    %dot_general3A_137 = tpu.matmul %concatenate3A_132, %get3A_135, %dot_general3A_136 {dimension_numbers = #tpu.dot_dimension_numbers<[1], [0], [0], [1], [0, 0, 1, 1], [], []>, transpose_lhs_hint = false} : vector<128x64xf32>, vector<64x32xf32>, vector<128x32xf32> -> vector<128x32xf32>
    %get3A_138 = arith.constant 0 : index
    %get3A_139 = arith.constant 0 : index
    %get3A_140 = vector.load %arg19[%get3A_138, %get3A_139] : memref<1x32xf32, #tpu.memory_space<vmem>>, vector<1x32xf32>
    %add3A_141 = vector.broadcast %get3A_140 : vector<1x32xf32> to vector<128x32xf32>
    %add3A_142 = arith.addf %dot_general3A_137, %add3A_141 : vector<128x32xf32>
    %max3A_143 = arith.constant 0.000000e+00 : f32
    %max3A_144 = vector.broadcast %max3A_143 : f32 to vector<128x32xf32>
    %max3A_145 = arith.maximumf %add3A_142, %max3A_144 : vector<128x32xf32>
    %concatenate3A_146 = tpu.concatenate %max3A_145, %get3A_1 in 1 : vector<128x32xf32>, vector<128x32xf32> -> vector<128x64xf32>
    %get3A_147 = arith.constant 0 : index
    %get3A_148 = arith.constant 0 : index
    %get3A_149 = vector.load %arg20[%get3A_147, %get3A_148] : memref<64x32xf32, #tpu.memory_space<vmem>>, vector<64x32xf32>
    %dot_general3A_150 = arith.constant dense<0.000000e+00> : vector<128x32xf32>
    %dot_general3A_151 = tpu.matmul %concatenate3A_146, %get3A_149, %dot_general3A_150 {dimension_numbers = #tpu.dot_dimension_numbers<[1], [0], [0], [1], [0, 0, 1, 1], [], []>, transpose_lhs_hint = false} : vector<128x64xf32>, vector<64x32xf32>, vector<128x32xf32> -> vector<128x32xf32>
    %get3A_152 = arith.constant 0 : index
    %get3A_153 = arith.constant 0 : index
    %get3A_154 = vector.load %arg21[%get3A_152, %get3A_153] : memref<1x32xf32, #tpu.memory_space<vmem>>, vector<1x32xf32>
    %add3A_155 = vector.broadcast %get3A_154 : vector<1x32xf32> to vector<128x32xf32>
    %add3A_156 = arith.addf %dot_general3A_151, %add3A_155 : vector<128x32xf32>
    %get3A_157 = arith.constant 0 : index
    %get3A_158 = arith.constant 0 : index
    %get3A_159 = vector.load %arg22[%get3A_157, %get3A_158] : memref<32x32xf32, #tpu.memory_space<vmem>>, vector<32x32xf32>
    %dot_general3A_160 = arith.constant dense<0.000000e+00> : vector<128x32xf32>
    %dot_general3A_161 = tpu.matmul %add3A_156, %get3A_159, %dot_general3A_160 {dimension_numbers = #tpu.dot_dimension_numbers<[1], [0], [0], [1], [0, 0, 1, 1], [], []>, transpose_lhs_hint = false} : vector<128x32xf32>, vector<32x32xf32>, vector<128x32xf32> -> vector<128x32xf32>
    %get3A_162 = arith.constant 0 : index
    %get3A_163 = arith.constant 0 : index
    %get3A_164 = vector.load %arg23[%get3A_162, %get3A_163] : memref<1x32xf32, #tpu.memory_space<vmem>>, vector<1x32xf32>
    %add3A_165 = vector.broadcast %get3A_164 : vector<1x32xf32> to vector<128x32xf32>
    %add3A_166 = arith.addf %dot_general3A_161, %add3A_165 : vector<128x32xf32>
    %max3A_167 = arith.constant 0.000000e+00 : f32
    %max3A_168 = vector.broadcast %max3A_167 : f32 to vector<128x32xf32>
    %max3A_169 = arith.maximumf %add3A_166, %max3A_168 : vector<128x32xf32>
    %get3A_170 = arith.constant 0 : index
    %get3A_171 = arith.constant 0 : index
    %get3A_172 = vector.load %arg24[%get3A_170, %get3A_171] : memref<32x32xf32, #tpu.memory_space<vmem>>, vector<32x32xf32>
    %dot_general3A_173 = arith.constant dense<0.000000e+00> : vector<128x32xf32>
    %dot_general3A_174 = tpu.matmul %max3A_169, %get3A_172, %dot_general3A_173 {dimension_numbers = #tpu.dot_dimension_numbers<[1], [0], [0], [1], [0, 0, 1, 1], [], []>, transpose_lhs_hint = false} : vector<128x32xf32>, vector<32x32xf32>, vector<128x32xf32> -> vector<128x32xf32>
    %get3A_175 = arith.constant 0 : index
    %get3A_176 = arith.constant 0 : index
    %get3A_177 = vector.load %arg25[%get3A_175, %get3A_176] : memref<1x32xf32, #tpu.memory_space<vmem>>, vector<1x32xf32>
    %add3A_178 = vector.broadcast %get3A_177 : vector<1x32xf32> to vector<128x32xf32>
    %add3A_179 = arith.addf %dot_general3A_174, %add3A_178 : vector<128x32xf32>
    %get3A_180 = arith.constant 0 : index
    %get3A_181 = arith.constant 0 : index
    %get3A_182 = vector.load %arg6[%get3A_180, %get3A_181] : memref<128x32xf32, #tpu.memory_space<vmem>>, vector<128x32xf32>
    %get3A_183 = arith.constant 0 : index
    %get3A_184 = arith.constant 0 : index
    %get3A_185 = vector.load %arg26[%get3A_183, %get3A_184] : memref<32x32xf32, #tpu.memory_space<vmem>>, vector<32x32xf32>
    %dot_general3A_186 = arith.constant dense<0.000000e+00> : vector<128x32xf32>
    %dot_general3A_187 = tpu.matmul %get3A_182, %get3A_185, %dot_general3A_186 {dimension_numbers = #tpu.dot_dimension_numbers<[1], [0], [0], [1], [0, 0, 1, 1], [], []>, transpose_lhs_hint = false} : vector<128x32xf32>, vector<32x32xf32>, vector<128x32xf32> -> vector<128x32xf32>
    %get3A_188 = arith.constant 0 : index
    %get3A_189 = arith.constant 0 : index
    %get3A_190 = vector.load %arg27[%get3A_188, %get3A_189] : memref<1x32xf32, #tpu.memory_space<vmem>>, vector<1x32xf32>
    %add3A_191 = vector.broadcast %get3A_190 : vector<1x32xf32> to vector<128x32xf32>
    %add3A_192 = arith.addf %dot_general3A_187, %add3A_191 : vector<128x32xf32>
    %max3A_193 = arith.constant 0.000000e+00 : f32
    %max3A_194 = vector.broadcast %max3A_193 : f32 to vector<128x32xf32>
    %max3A_195 = arith.maximumf %add3A_192, %max3A_194 : vector<128x32xf32>
    %get3A_196 = arith.constant 0 : index
    %get3A_197 = arith.constant 0 : index
    %get3A_198 = vector.load %arg28[%get3A_196, %get3A_197] : memref<32x32xf32, #tpu.memory_space<vmem>>, vector<32x32xf32>
    %dot_general3A_199 = arith.constant dense<0.000000e+00> : vector<128x32xf32>
    %dot_general3A_200 = tpu.matmul %max3A_195, %get3A_198, %dot_general3A_199 {dimension_numbers = #tpu.dot_dimension_numbers<[1], [0], [0], [1], [0, 0, 1, 1], [], []>, transpose_lhs_hint = false} : vector<128x32xf32>, vector<32x32xf32>, vector<128x32xf32> -> vector<128x32xf32>
    %get3A_201 = arith.constant 0 : index
    %get3A_202 = arith.constant 0 : index
    %get3A_203 = vector.load %arg29[%get3A_201, %get3A_202] : memref<1x32xf32, #tpu.memory_space<vmem>>, vector<1x32xf32>
    %add3A_204 = vector.broadcast %get3A_203 : vector<1x32xf32> to vector<128x32xf32>
    %add3A_205 = arith.addf %dot_general3A_200, %add3A_204 : vector<128x32xf32>
    %get3A_206 = arith.constant 0 : index
    %get3A_207 = arith.constant 0 : index
    %get3A_208 = vector.load %arg7[%get3A_206, %get3A_207] : memref<128x32xf32, #tpu.memory_space<vmem>>, vector<128x32xf32>
    %get3A_209 = arith.constant 0 : index
    %get3A_210 = arith.constant 0 : index
    %get3A_211 = vector.load %arg26[%get3A_209, %get3A_210] : memref<32x32xf32, #tpu.memory_space<vmem>>, vector<32x32xf32>
    %dot_general3A_212 = arith.constant dense<0.000000e+00> : vector<128x32xf32>
    %dot_general3A_213 = tpu.matmul %get3A_208, %get3A_211, %dot_general3A_212 {dimension_numbers = #tpu.dot_dimension_numbers<[1], [0], [0], [1], [0, 0, 1, 1], [], []>, transpose_lhs_hint = false} : vector<128x32xf32>, vector<32x32xf32>, vector<128x32xf32> -> vector<128x32xf32>
    %get3A_214 = arith.constant 0 : index
    %get3A_215 = arith.constant 0 : index
    %get3A_216 = vector.load %arg27[%get3A_214, %get3A_215] : memref<1x32xf32, #tpu.memory_space<vmem>>, vector<1x32xf32>
    %add3A_217 = vector.broadcast %get3A_216 : vector<1x32xf32> to vector<128x32xf32>
    %add3A_218 = arith.addf %dot_general3A_213, %add3A_217 : vector<128x32xf32>
    %max3A_219 = arith.constant 0.000000e+00 : f32
    %max3A_220 = vector.broadcast %max3A_219 : f32 to vector<128x32xf32>
    %max3A_221 = arith.maximumf %add3A_218, %max3A_220 : vector<128x32xf32>
    %get3A_222 = arith.constant 0 : index
    %get3A_223 = arith.constant 0 : index
    %get3A_224 = vector.load %arg28[%get3A_222, %get3A_223] : memref<32x32xf32, #tpu.memory_space<vmem>>, vector<32x32xf32>
    %dot_general3A_225 = arith.constant dense<0.000000e+00> : vector<128x32xf32>
    %dot_general3A_226 = tpu.matmul %max3A_221, %get3A_224, %dot_general3A_225 {dimension_numbers = #tpu.dot_dimension_numbers<[1], [0], [0], [1], [0, 0, 1, 1], [], []>, transpose_lhs_hint = false} : vector<128x32xf32>, vector<32x32xf32>, vector<128x32xf32> -> vector<128x32xf32>
    %get3A_227 = arith.constant 0 : index
    %get3A_228 = arith.constant 0 : index
    %get3A_229 = vector.load %arg29[%get3A_227, %get3A_228] : memref<1x32xf32, #tpu.memory_space<vmem>>, vector<1x32xf32>
    %add3A_230 = vector.broadcast %get3A_229 : vector<1x32xf32> to vector<128x32xf32>
    %add3A_231 = arith.addf %dot_general3A_226, %add3A_230 : vector<128x32xf32>
    %concatenate3A_232 = tpu.concatenate %add3A_179, %add3A_205 in 1 : vector<128x32xf32>, vector<128x32xf32> -> vector<128x64xf32>
    %get3A_233 = arith.constant 0 : index
    %get3A_234 = arith.constant 0 : index
    %get3A_235 = vector.load %arg30[%get3A_233, %get3A_234] : memref<64x32xf32, #tpu.memory_space<vmem>>, vector<64x32xf32>
    %dot_general3A_236 = arith.constant dense<0.000000e+00> : vector<128x32xf32>
    %dot_general3A_237 = tpu.matmul %concatenate3A_232, %get3A_235, %dot_general3A_236 {dimension_numbers = #tpu.dot_dimension_numbers<[1], [0], [0], [1], [0, 0, 1, 1], [], []>, transpose_lhs_hint = false} : vector<128x64xf32>, vector<64x32xf32>, vector<128x32xf32> -> vector<128x32xf32>
    %get3A_238 = arith.constant 0 : index
    %get3A_239 = arith.constant 0 : index
    %get3A_240 = vector.load %arg31[%get3A_238, %get3A_239] : memref<1x32xf32, #tpu.memory_space<vmem>>, vector<1x32xf32>
    %add3A_241 = vector.broadcast %get3A_240 : vector<1x32xf32> to vector<128x32xf32>
    %add3A_242 = arith.addf %dot_general3A_237, %add3A_241 : vector<128x32xf32>
    %max3A_243 = arith.constant 0.000000e+00 : f32
    %max3A_244 = vector.broadcast %max3A_243 : f32 to vector<128x32xf32>
    %max3A_245 = arith.maximumf %add3A_242, %max3A_244 : vector<128x32xf32>
    %get3A_246 = arith.constant 0 : index
    %get3A_247 = arith.constant 0 : index
    %get3A_248 = vector.load %arg32[%get3A_246, %get3A_247] : memref<32x32xf32, #tpu.memory_space<vmem>>, vector<32x32xf32>
    %dot_general3A_249 = arith.constant dense<0.000000e+00> : vector<128x32xf32>
    %dot_general3A_250 = tpu.matmul %max3A_245, %get3A_248, %dot_general3A_249 {dimension_numbers = #tpu.dot_dimension_numbers<[1], [0], [0], [1], [0, 0, 1, 1], [], []>, transpose_lhs_hint = false} : vector<128x32xf32>, vector<32x32xf32>, vector<128x32xf32> -> vector<128x32xf32>
    %get3A_251 = arith.constant 0 : index
    %get3A_252 = arith.constant 0 : index
    %get3A_253 = vector.load %arg33[%get3A_251, %get3A_252] : memref<1x32xf32, #tpu.memory_space<vmem>>, vector<1x32xf32>
    %add3A_254 = vector.broadcast %get3A_253 : vector<1x32xf32> to vector<128x32xf32>
    %add3A_255 = arith.addf %dot_general3A_250, %add3A_254 : vector<128x32xf32>
    %max3A_256 = arith.constant 0.000000e+00 : f32
    %max3A_257 = vector.broadcast %max3A_256 : f32 to vector<128x32xf32>
    %max3A_258 = arith.maximumf %add3A_255, %max3A_257 : vector<128x32xf32>
    %get3A_259 = arith.constant 0 : index
    %get3A_260 = arith.constant 0 : index
    %get3A_261 = vector.load %arg34[%get3A_259, %get3A_260] : memref<1x32xf32, #tpu.memory_space<vmem>>, vector<1x32xf32>
    %mul3A_262 = vector.broadcast %get3A_261 : vector<1x32xf32> to vector<128x32xf32>
    %mul3A_263 = arith.mulf %max3A_258, %mul3A_262 : vector<128x32xf32>
    %reduce_sum3A_264 = arith.constant dense<0.000000e+00> : vector<128xf32>
    %reduce_sum3A_265 = vector.multi_reduction <add>, %mul3A_263, %reduce_sum3A_264 [1] : vector<128x32xf32> to vector<128xf32>
    %broadcast_in_dim3A_266 = vector.shape_cast %reduce_sum3A_265 : vector<128xf32> to vector<128x1xf32>
    %get3A_267 = arith.constant 0 : index
    %get3A_268 = arith.constant 0 : index
    %get3A_269 = vector.load %arg35[%get3A_267, %get3A_268] : memref<1x1xf32, #tpu.memory_space<vmem>>, vector<1x1xf32>
    %get3A_270 = vector.extract %get3A_269[0, 0] : f32 from vector<1x1xf32>
    %add3A_271 = vector.broadcast %get3A_270 : f32 to vector<128x1xf32>
    %add3A_272 = arith.addf %broadcast_in_dim3A_266, %add3A_271 : vector<128x1xf32>
    %swap3A = arith.constant 0 : index
    %swap3A_273 = arith.constant 0 : index
    %swap3A_274 = vector.load %arg36[%swap3A, %swap3A_273] : memref<128x1xf32, #tpu.memory_space<vmem>>, vector<128x1xf32>
    tpu.vector_store %arg36[%swap3A, %swap3A_273], %add3A_272 {strides = array<i32>} : memref<128x1xf32, #tpu.memory_space<vmem>>, vector<128x1xf32>,
    %concatenate3A_275 = tpu.concatenate %add3A_179, %add3A_231 in 1 : vector<128x32xf32>, vector<128x32xf32> -> vector<128x64xf32>
    %get3A_276 = arith.constant 0 : index
    %get3A_277 = arith.constant 0 : index
    %get3A_278 = vector.load %arg30[%get3A_276, %get3A_277] : memref<64x32xf32, #tpu.memory_space<vmem>>, vector<64x32xf32>
    %dot_general3A_279 = arith.constant dense<0.000000e+00> : vector<128x32xf32>
    %dot_general3A_280 = tpu.matmul %concatenate3A_275, %get3A_278, %dot_general3A_279 {dimension_numbers = #tpu.dot_dimension_numbers<[1], [0], [0], [1], [0, 0, 1, 1], [], []>, transpose_lhs_hint = false} : vector<128x64xf32>, vector<64x32xf32>, vector<128x32xf32> -> vector<128x32xf32>
    %get3A_281 = arith.constant 0 : index
    %get3A_282 = arith.constant 0 : index
    %get3A_283 = vector.load %arg31[%get3A_281, %get3A_282] : memref<1x32xf32, #tpu.memory_space<vmem>>, vector<1x32xf32>
    %add3A_284 = vector.broadcast %get3A_283 : vector<1x32xf32> to vector<128x32xf32>
    %add3A_285 = arith.addf %dot_general3A_280, %add3A_284 : vector<128x32xf32>
    %max3A_286 = arith.constant 0.000000e+00 : f32
    %max3A_287 = vector.broadcast %max3A_286 : f32 to vector<128x32xf32>
    %max3A_288 = arith.maximumf %add3A_285, %max3A_287 : vector<128x32xf32>
    %get3A_289 = arith.constant 0 : index
    %get3A_290 = arith.constant 0 : index
    %get3A_291 = vector.load %arg32[%get3A_289, %get3A_290] : memref<32x32xf32, #tpu.memory_space<vmem>>, vector<32x32xf32>
    %dot_general3A_292 = arith.constant dense<0.000000e+00> : vector<128x32xf32>
    %dot_general3A_293 = tpu.matmul %max3A_288, %get3A_291, %dot_general3A_292 {dimension_numbers = #tpu.dot_dimension_numbers<[1], [0], [0], [1], [0, 0, 1, 1], [], []>, transpose_lhs_hint = false} : vector<128x32xf32>, vector<32x32xf32>, vector<128x32xf32> -> vector<128x32xf32>
    %get3A_294 = arith.constant 0 : index
    %get3A_295 = arith.constant 0 : index
    %get3A_296 = vector.load %arg33[%get3A_294, %get3A_295] : memref<1x32xf32, #tpu.memory_space<vmem>>, vector<1x32xf32>
    %add3A_297 = vector.broadcast %get3A_296 : vector<1x32xf32> to vector<128x32xf32>
    %add3A_298 = arith.addf %dot_general3A_293, %add3A_297 : vector<128x32xf32>
    %max3A_299 = arith.constant 0.000000e+00 : f32
    %max3A_300 = vector.broadcast %max3A_299 : f32 to vector<128x32xf32>
    %max3A_301 = arith.maximumf %add3A_298, %max3A_300 : vector<128x32xf32>
    %get3A_302 = arith.constant 0 : index
    %get3A_303 = arith.constant 0 : index
    %get3A_304 = vector.load %arg34[%get3A_302, %get3A_303] : memref<1x32xf32, #tpu.memory_space<vmem>>, vector<1x32xf32>
    %mul3A_305 = vector.broadcast %get3A_304 : vector<1x32xf32> to vector<128x32xf32>
    %mul3A_306 = arith.mulf %max3A_301, %mul3A_305 : vector<128x32xf32>
    %reduce_sum3A_307 = arith.constant dense<0.000000e+00> : vector<128xf32>
    %reduce_sum3A_308 = vector.multi_reduction <add>, %mul3A_306, %reduce_sum3A_307 [1] : vector<128x32xf32> to vector<128xf32>
    %broadcast_in_dim3A_309 = vector.shape_cast %reduce_sum3A_308 : vector<128xf32> to vector<128x1xf32>
    %get3A_310 = arith.constant 0 : index
    %get3A_311 = arith.constant 0 : index
    %get3A_312 = vector.load %arg35[%get3A_310, %get3A_311] : memref<1x1xf32, #tpu.memory_space<vmem>>, vector<1x1xf32>
    %get3A_313 = vector.extract %get3A_312[0, 0] : f32 from vector<1x1xf32>
    %add3A_314 = vector.broadcast %get3A_313 : f32 to vector<128x1xf32>
    %add3A_315 = arith.addf %broadcast_in_dim3A_309, %add3A_314 : vector<128x1xf32>
    %swap3A_316 = arith.constant 0 : index
    %swap3A_317 = arith.constant 0 : index
    %swap3A_318 = vector.load %arg37[%swap3A_316, %swap3A_317] : memref<128x1xf32, #tpu.memory_space<vmem>>, vector<128x1xf32>
    tpu.vector_store %arg37[%swap3A_316, %swap3A_317], %add3A_315 {strides = array<i32>} : memref<128x1xf32, #tpu.memory_space<vmem>>, vector<128x1xf32>,
    return
  }
  func.func @transform_0(%arg0: i32) -> (i32, i32, i32) {
    %c0_i32 = arith.constant 0 : i32
    %c0_i32_0 = arith.constant 0 : i32
    %c0_i32_1 = arith.constant 0 : i32
    return %arg0, %c0_i32, %c0_i32_0 : i32, i32, i32
  }
  func.func @transform_1(%arg0: i32) -> (i32, i32, i32) {
    %c0_i32 = arith.constant 0 : i32
    %c0_i32_0 = arith.constant 0 : i32
    %c0_i32_1 = arith.constant 0 : i32
    return %arg0, %c0_i32, %c0_i32_0 : i32, i32, i32
  }
  func.func @transform_2(%arg0: i32) -> (i32, i32, i32) {
    %c0_i32 = arith.constant 0 : i32
    %c0_i32_0 = arith.constant 0 : i32
    %c0_i32_1 = arith.constant 0 : i32
    return %arg0, %c0_i32, %c0_i32_0 : i32, i32, i32
  }
  func.func @transform_3(%arg0: i32) -> (i32, i32, i32) {
    %c0_i32 = arith.constant 0 : i32
    %c0_i32_0 = arith.constant 0 : i32
    %c0_i32_1 = arith.constant 0 : i32
    return %arg0, %c0_i32, %c0_i32_0 : i32, i32, i32
  }
  func.func @transform_4(%arg0: i32) -> (i32, i32) {
    %c0_i32 = arith.constant 0 : i32
    %c0_i32_0 = arith.constant 0 : i32
    return %arg0, %c0_i32 : i32, i32
  }
  func.func @transform_5(%arg0: i32) -> (i32, i32) {
    %c0_i32 = arith.constant 0 : i32
    %c0_i32_0 = arith.constant 0 : i32
    return %arg0, %c0_i32 : i32, i32
  }
  func.func @transform_6(%arg0: i32) -> (i32, i32) {
    %c0_i32 = arith.constant 0 : i32
    %c0_i32_0 = arith.constant 0 : i32
    return %arg0, %c0_i32 : i32, i32
  }
  func.func @transform_7(%arg0: i32) -> (i32, i32) {
    %c0_i32 = arith.constant 0 : i32
    %c0_i32_0 = arith.constant 0 : i32
    %c0_i32_1 = arith.constant 0 : i32
    return %c0_i32, %c0_i32_0 : i32, i32
  }
  func.func @transform_8(%arg0: i32) -> (i32, i32) {
    %c0_i32 = arith.constant 0 : i32
    %c0_i32_0 = arith.constant 0 : i32
    %c0_i32_1 = arith.constant 0 : i32
    return %c0_i32, %c0_i32_0 : i32, i32
  }
  func.func @transform_9(%arg0: i32) -> (i32, i32) {
    %c0_i32 = arith.constant 0 : i32
    %c0_i32_0 = arith.constant 0 : i32
    %c0_i32_1 = arith.constant 0 : i32
    return %c0_i32, %c0_i32_0 : i32, i32
  }
  func.func @transform_10(%arg0: i32) -> (i32, i32) {
    %c0_i32 = arith.constant 0 : i32
    %c0_i32_0 = arith.constant 0 : i32
    %c0_i32_1 = arith.constant 0 : i32
    return %c0_i32, %c0_i32_0 : i32, i32
  }
  func.func @transform_11(%arg0: i32) -> (i32, i32) {
    %c0_i32 = arith.constant 0 : i32
    %c0_i32_0 = arith.constant 0 : i32
    %c0_i32_1 = arith.constant 0 : i32
    return %c0_i32, %c0_i32_0 : i32, i32
  }
  func.func @transform_12(%arg0: i32) -> (i32, i32) {
    %c0_i32 = arith.constant 0 : i32
    %c0_i32_0 = arith.constant 0 : i32
    %c0_i32_1 = arith.constant 0 : i32
    return %c0_i32, %c0_i32_0 : i32, i32
  }
  func.func @transform_13(%arg0: i32) -> (i32, i32) {
    %c0_i32 = arith.constant 0 : i32
    %c0_i32_0 = arith.constant 0 : i32
    %c0_i32_1 = arith.constant 0 : i32
    return %c0_i32, %c0_i32_0 : i32, i32
  }
  func.func @transform_14(%arg0: i32) -> (i32, i32) {
    %c0_i32 = arith.constant 0 : i32
    %c0_i32_0 = arith.constant 0 : i32
    %c0_i32_1 = arith.constant 0 : i32
    return %c0_i32, %c0_i32_0 : i32, i32
  }
  func.func @transform_15(%arg0: i32) -> (i32, i32) {
    %c0_i32 = arith.constant 0 : i32
    %c0_i32_0 = arith.constant 0 : i32
    %c0_i32_1 = arith.constant 0 : i32
    return %c0_i32, %c0_i32_0 : i32, i32
  }
  func.func @transform_16(%arg0: i32) -> (i32, i32) {
    %c0_i32 = arith.constant 0 : i32
    %c0_i32_0 = arith.constant 0 : i32
    %c0_i32_1 = arith.constant 0 : i32
    return %c0_i32, %c0_i32_0 : i32, i32
  }
  func.func @transform_17(%arg0: i32) -> (i32, i32) {
    %c0_i32 = arith.constant 0 : i32
    %c0_i32_0 = arith.constant 0 : i32
    %c0_i32_1 = arith.constant 0 : i32
    return %c0_i32, %c0_i32_0 : i32, i32
  }
  func.func @transform_18(%arg0: i32) -> (i32, i32) {
    %c0_i32 = arith.constant 0 : i32
    %c0_i32_0 = arith.constant 0 : i32
    %c0_i32_1 = arith.constant 0 : i32
    return %c0_i32, %c0_i32_0 : i32, i32
  }
  func.func @transform_19(%arg0: i32) -> (i32, i32) {
    %c0_i32 = arith.constant 0 : i32
    %c0_i32_0 = arith.constant 0 : i32
    %c0_i32_1 = arith.constant 0 : i32
    return %c0_i32, %c0_i32_0 : i32, i32
  }
  func.func @transform_20(%arg0: i32) -> (i32, i32) {
    %c0_i32 = arith.constant 0 : i32
    %c0_i32_0 = arith.constant 0 : i32
    %c0_i32_1 = arith.constant 0 : i32
    return %c0_i32, %c0_i32_0 : i32, i32
  }
  func.func @transform_21(%arg0: i32) -> (i32, i32) {
    %c0_i32 = arith.constant 0 : i32
    %c0_i32_0 = arith.constant 0 : i32
    %c0_i32_1 = arith.constant 0 : i32
    return %c0_i32, %c0_i32_0 : i32, i32
  }
  func.func @transform_22(%arg0: i32) -> (i32, i32) {
    %c0_i32 = arith.constant 0 : i32
    %c0_i32_0 = arith.constant 0 : i32
    %c0_i32_1 = arith.constant 0 : i32
    return %c0_i32, %c0_i32_0 : i32, i32
  }
  func.func @transform_23(%arg0: i32) -> (i32, i32) {
    %c0_i32 = arith.constant 0 : i32
    %c0_i32_0 = arith.constant 0 : i32
    %c0_i32_1 = arith.constant 0 : i32
    return %c0_i32, %c0_i32_0 : i32, i32
  }
  func.func @transform_24(%arg0: i32) -> (i32, i32) {
    %c0_i32 = arith.constant 0 : i32
    %c0_i32_0 = arith.constant 0 : i32
    %c0_i32_1 = arith.constant 0 : i32
    return %c0_i32, %c0_i32_0 : i32, i32
  }
  func.func @transform_25(%arg0: i32) -> (i32, i32) {
    %c0_i32 = arith.constant 0 : i32
    %c0_i32_0 = arith.constant 0 : i32
    %c0_i32_1 = arith.constant 0 : i32
    return %c0_i32, %c0_i32_0 : i32, i32
  }
  func.func @transform_26(%arg0: i32) -> (i32, i32) {
    %c0_i32 = arith.constant 0 : i32
    %c0_i32_0 = arith.constant 0 : i32
    %c0_i32_1 = arith.constant 0 : i32
    return %c0_i32, %c0_i32_0 : i32, i32
  }
  func.func @transform_27(%arg0: i32) -> (i32, i32) {
    %c0_i32 = arith.constant 0 : i32
    %c0_i32_0 = arith.constant 0 : i32
    %c0_i32_1 = arith.constant 0 : i32
    return %c0_i32, %c0_i32_0 : i32, i32
  }
  func.func @transform_28(%arg0: i32) -> (i32, i32) {
    %c0_i32 = arith.constant 0 : i32
    %c0_i32_0 = arith.constant 0 : i32
    %c0_i32_1 = arith.constant 0 : i32
    return %c0_i32, %c0_i32_0 : i32, i32
  }
  func.func @transform_29(%arg0: i32) -> (i32, i32) {
    %c0_i32 = arith.constant 0 : i32
    %c0_i32_0 = arith.constant 0 : i32
    %c0_i32_1 = arith.constant 0 : i32
    return %c0_i32, %c0_i32_0 : i32, i32
  }
  func.func @transform_30(%arg0: i32) -> (i32, i32) {
    %c0_i32 = arith.constant 0 : i32
    %c0_i32_0 = arith.constant 0 : i32
    %c0_i32_1 = arith.constant 0 : i32
    return %c0_i32, %c0_i32_0 : i32, i32
  }
  func.func @transform_31(%arg0: i32) -> (i32, i32) {
    %c0_i32 = arith.constant 0 : i32
    %c0_i32_0 = arith.constant 0 : i32
    %c0_i32_1 = arith.constant 0 : i32
    return %c0_i32, %c0_i32_0 : i32, i32
  }
  func.func @transform_32(%arg0: i32) -> (i32, i32) {
    %c0_i32 = arith.constant 0 : i32
    %c0_i32_0 = arith.constant 0 : i32
    %c0_i32_1 = arith.constant 0 : i32
    return %c0_i32, %c0_i32_0 : i32, i32
  }
  func.func @transform_33(%arg0: i32) -> (i32, i32) {
    %c0_i32 = arith.constant 0 : i32
    %c0_i32_0 = arith.constant 0 : i32
    %c0_i32_1 = arith.constant 0 : i32
    return %c0_i32, %c0_i32_0 : i32, i32
  }
  func.func @transform_34(%arg0: i32) -> (i32, i32) {
    %c0_i32 = arith.constant 0 : i32
    %c0_i32_0 = arith.constant 0 : i32
    %c0_i32_1 = arith.constant 0 : i32
    return %c0_i32, %c0_i32_0 : i32, i32
  }
  func.func @transform_35(%arg0: i32) -> (i32, i32) {
    %c0_i32 = arith.constant 0 : i32
    %c0_i32_0 = arith.constant 0 : i32
    return %arg0, %c0_i32 : i32, i32
  }
  func.func @transform_36(%arg0: i32) -> (i32, i32) {
    %c0_i32 = arith.constant 0 : i32
    %c0_i32_0 = arith.constant 0 : i32
    return %arg0, %c0_i32 : i32, i32
  }
}

</mosaic_0001>

<sc_bundles>
// kernel: kernel.4.cloned.1.call-start
scs
__scs_entry_jumppad:
0x0: {  	(pc) =	sbr.rel $0x88, $3  }
0x1: {  	(tag) =	ssettag $0x0;
	lr =	simm.s32 $0x1  }
0x2: {  	[smem:$0x3F82] =	sst lr;
	_ =	strace $0xD0000000  }
0x3: {  	_ = 	snop  }
0x4: {  	_ = 	snop  }
0x5: {  	_ = 	snop  }
0x6: {  	_ = 	snop  }
0x7: {  	_ = 	snop  }
__scs_overlays_trampoline_lowered:
0x8: {  	[smem:$0x3F91] =	sst s0  }
0x9: {  	[smem:$0x3F92] =	sst s1  }
0xa: {  	[smem:$0x3F93] =	sst s2  }
0xb: {  	[smem:$0x3F94] =	sst s3  }
0xc: {  	[smem:$0x3F95] =	sst s4  }
0xd: {  	[smem:$0x3F96] =	sst s5  }
0xe: {  	[smem:$0x3F97] =	sst s6  }
0xf: {  	[smem:$0x3F98] =	sst s7  }
0x10: {  	[smem:$0x3F99] =	sst s8  }
0x11: {  	[smem:$0x3F9A] =	sst s9;
	s0 =	simm.s32 @!p0 $0x0  }
0x12: {  	s1 =	sld [smem:$0x3F80];
	s0 =	simm.s32 @p0 $0x1  }
0x13: {  	[smem:$0x3F9B] =	sst s0;
	s0 =	simm.s32 @!p1 $0x0  }
0x14: {  	s2 =	sld [smem:$0x3F7F];
	s0 =	simm.s32 @p1 $0x1  }
0x15: {  	[smem:$0x3F9C] =	sst s0;
	s0 =	simm.s32 @!p2 $0x0  }
0x16: {  	s3 =	sld [smem:$0x3FDB];
	s0 =	simm.s32 @p2 $0x1  }
0x17: {  	s4 =	simm.s32 $0x1BF5;
	[smem:$0x3F9E] =	sst s0  }
0x18: {  	s0 =	sld [smem:$0x3F81];
	_ =	swait.ge [sflag:s4], $0x0  }
0x19: {  	s7 =	sld [smem:$0x3F82]  }
0x1a: {  	s8 =	sadd.s32 $0xFFFFE003, lr  }
0x1b: {  	s9 =	sadd.s32 $0xFFFFFEF7, lr;
	s5 =	simm.s32 $0xFFFFFFFF;
	p2 =	slt.u32 s8, $0xFFFFF086  }
0x1c: {  	p1 =	slt.u32 s9, $0xF7A;
	s5 =	simm.s32 @!p2 $0x0  }
0x1d: {  	s5 =	simm.s32 @p1 $0x1;
	p0 =	seq.s32 s7, s2  }
0x1e: {  	s7 =	smul.u32 @!p0 $0xF7A, s2;
	p2 =	seq.s32 @!p0 s5, $0x0  }
0x1f: {  	s9 =	smul.u32 $0xF7A, s1;
	s8 =	simm.s32 @!p0 $0x1BF5;
	p2 =	por !p2, p0  }
0x20: {  	[sflag:s8] =	ssyncset.s32 @!p0 $0xFFFFF086;
	s6 =	sadd.s32 @!p0 s3, s7;
	s7 =	simm.s32 @!p0 $0x108  }
0x21: {  	s3 =	sadd.s32 s3, s9;
	s6 =	sadd.s32 @!p0 $0x88, s6;
	s7 =	simm.s32 @p2 $0x1082  }
0x22: {  	[simem:s7], [sflag:s8] =	dma.local @!p0 [hbm:s6], $0xF7A  }
0x23: {  	s9 =	sor.u32 $0xD0000000, s2;
	s6 =	simm.s32 $0x108;
	_ =	swait.ge @!p0 [sflag:s8], $0x0  }
0x24: {  	s3 =	sadd.s32 $0x88, s3;
	s6 =	simm.s32 @!p1 $0x1082;
	[sflag:s4] =	ssyncset.s32 $0xFFFFF086  }
0x25: {  	[simem:s6], [sflag:s4] =	dma.local [hbm:s3], $0xF7A  }
0x26: {  	[smem:$0x3F82] =	sst s1;
	(tag) =	ssettag s2;
	_ =	strace s9  }
0x27: {  	s1 =	sld [smem:$0x3F92]  }
0x28: {  	s2 =	sld [smem:$0x3F93]  }
0x29: {  	s4 =	sld [smem:$0x3F95]  }
0x2a: {  	p0 =	seq.s32 s5, $0x0;
	s5 =	sld [smem:$0x3F96]  }
0x2b: {  	s6 =	sld [smem:$0x3F97]  }
0x2c: {  	s7 =	sld [smem:$0x3F98]  }
0x2d: {  	s3 =	simm.s32 $0x108;
	s8 =	sld [smem:$0x3F99]  }
0x2e: {  	s3 =	simm.s32 @!p0 $0x1082;
	s9 =	sld [smem:$0x3F9A]  }
0x2f: {  	lr =	sadd.s32 s0, s3;
	s0 =	sld [smem:$0x3F91]  }
0x30: {  	s3 =	sld [smem:$0x3F94]  }
0x31: {  	[smem:$0x3F9D] =	sst s10  }
0x32: {  	s10 =	sld [smem:$0x3F9B];
	_ =	sdelay $0x3  }
0x33: {  	p0 =	seq.s32 s10, $0x1;
	s10 =	sld [smem:$0x3F9D];
	_ =	sdelay $0x3  }
0x34: {  	[smem:$0x3F9D] =	sst s10  }
0x35: {  	s10 =	sld [smem:$0x3F9C];
	_ =	sdelay $0x3  }
0x36: {  	p1 =	seq.s32 s10, $0x1;
	s10 =	sld [smem:$0x3F9D];
	_ =	sdelay $0x3  }
0x37: {  	[smem:$0x3F9D] =	sst s10  }
0x38: {  	s10 =	sld [smem:$0x3F9E]  }
0x39: {  	_ = 	snop;
	(pc) =	sbr.ind lr, $3  }
0x3a: {  	_ = 	snop  }
0x3b: {  	_ = 	snop  }
0x3c: {  	p2 =	seq.s32 s10, $0x1;
	s10 =	sld [smem:$0x3F9D]  }
0x3d: {  	_ =	shalt  }
0x3e: {  	_ =	shalt  }
0x3f: {  	_ =	shalt  }
0x40: {  	_ =	shalt  }
0x41: {  	_ =	shalt  }
0x42: {  	_ =	shalt  }
0x43: {  	_ =	shalt  }
0x44: {  	_ =	shalt  }
0x45: {  	_ =	shalt  }
0x46: {  	_ =	shalt  }
0x47: {  	_ =	shalt  }
0x48: {  	_ =	shalt  }
0x49: {  	_ =	shalt  }
0x4a: {  	_ =	shalt  }
0x4b: {  	_ =	shalt  }
0x4c: {  	_ =	shalt  }
0x4d: {  	_ =	shalt  }
0x4e: {  	_ =	shalt  }
0x4f: {  	_ =	shalt  }
0x50: {  	_ =	shalt  }
0x51: {  	_ =	shalt  }
0x52: {  	_ =	shalt  }
0x53: {  	_ =	shalt  }
0x54: {  	_ =	shalt  }
0x55: {  	_ =	shalt  }
0x56: {  	_ =	shalt  }
0x57: {  	_ =	shalt  }
0x58: {  	_ =	shalt  }
0x59: {  	_ =	shalt  }
0x5a: {  	_ =	shalt  }
0x5b: {  	_ =	shalt  }
0x5c: {  	_ =	shalt  }
0x5d: {  	_ =	shalt  }
0x5e: {  	_ =	shalt  }
0x5f: {  	_ =	shalt  }
0x60: {  	_ =	shalt  }
0x61: {  	_ =	shalt  }
0x62: {  	_ =	shalt  }
0x63: {  	_ =	shalt  }
0x64: {  	_ =	shalt  }
0x65: {  	_ =	shalt  }
0x66: {  	_ =	shalt  }
0x67: {  	_ =	shalt  }
0x68: {  	_ =	shalt  }
0x69: {  	_ =	shalt  }
0x6a: {  	_ =	shalt  }
0x6b: {  	_ =	shalt  }
0x6c: {  	_ =	shalt  }
0x6d: {  	_ =	shalt  }
0x6e: {  	_ =	shalt  }
0x6f: {  	_ =	shalt  }
0x70: {  	_ =	shalt  }
0x71: {  	_ =	shalt  }
0x72: {  	_ =	shalt  }
0x73: {  	_ =	shalt  }
0x74: {  	_ =	shalt  }
0x75: {  	_ =	shalt  }
0x76: {  	_ =	shalt  }
0x77: {  	_ =	shalt  }
0x78: {  	_ =	shalt  }
0x79: {  	_ =	shalt  }
0x7a: {  	_ =	shalt  }
0x7b: {  	_ =	shalt  }
0x7c: {  	_ =	shalt  }
0x7d: {  	_ =	shalt  }
0x7e: {  	_ =	shalt  }
0x7f: {  	_ =	shalt  }
0x80: {  	_ =	shalt  }
0x81: {  	_ =	shalt  }
0x82: {  	_ =	shalt  }
0x83: {  	_ =	shalt  }
0x84: {  	_ =	shalt  }
0x85: {  	_ =	shalt  }
0x86: {  	_ =	shalt  }
0x87: {  	_ =	shalt  }
.Lfunc_end0:
.L_simem_size_0:
called_computation.1_lowered:
.L_overlay_start_0:
0x88: {  	s2 =	sld [smem:$0x3FD9]  }
0x89: {  	s3 =	sld [smem:$0x3FFE];
	_ =	sdelay $0x1  }
0x8a: {  	s1 =	srdreg.scid  }
0x8b: {  	s0 =	sand.u32 $0x1, s1  }
0x8c: {  	s17 =	sshll.u32 s0, $0xA;
	s2 =	sadd.s32 s3, s2  }
0x8d: {  	s2 =	sadd.s32 s2, s17  }
0x8e: {  	[smem:$0x3FA9] =	sst s2  }
0x8f: {  	_ = 	snop  }
0x90: {  	s2 =	sld [smem:$0x3FC9]  }
0x91: {  	s18 =	sld [smem:$0x3FC6]  }
0x92: {  	s4 =	sld [smem:$0x3FC5];
	(tm) =	ssettm $0x1  }
0x93: {  	s5 =	sld [smem:$0x3FFB];
	_ =	sdelay $0x3  }
0x94: {  	_ =	strace s5  }
0x95: {  	s5 =	sld [smem:$0x3FFC];
	_ =	sdelay $0x3  }
0x96: {  	_ =	strace s5  }
0x97: {  	s5 =	sld [smem:$0x3FFD];
	_ =	sdelay $0x3  }
0x98: {  	_ =	strace s5  }
0x99: {  	_ =	strace $0x8FFFFFFF  }
0x9a: {  	s19 =	sld [smem:$0x3FDB];
	_ =	sdelay $0x1  }
0x9b: {  	s6 =	simm.s32 $_scs_section_size  }
0x9c: {  	s7 =	simm.s32 $_size__tile_overlayer_lowered;
	s8 =	simm.s32 $_tile_overlayer_lowered  }
0x9d: {  	s22 =	simm.s32 $0x1BFF;
	s21 =	sshll.u32 s8, $0x1;
	s5 =	sadd.s32 s6, s19  }
0x9e: {  	s9 =	simm.s32 $0x0;
	s20 =	sshll.u32 s7, $0x1;
	s7 =	sadd.s32 s21, s5  }
0x9f: {  	[timem:s9], [sflag:s22] =	dma.local [hbm:s7], s20  }
0xa0: {  	_ =	swait.ge [sflag:s22], s20  }
0xa1: {  	s6 =	ssub.s32 $0x0, s20;
	[sflag:s22] =	ssyncset.done $0x0  }
0xa2: {  	[sflag:s22] =	ssyncadd.s32 s6;
	_ =	sdelay $0x1  }
0xa3: {  	s23 =	simm.s32 $0x1B8B  }
0xa4: {  	_ =	swait.ge [sflag:s23], $0x1  }
0xa5: {  	[sflag:s23] =	ssyncset.done $0x0  }
0xa6: {  	s25 =	simm.s32 $0x1B8E;
	s24 =	sld [smem:$0x3FFE];
	[sflag:s23] =	ssyncadd.s32 $0xFFFFFFFF  }
0xa7: {  	s26 =	simm.s32 $execute0_lowered;
	[smem:$0x3FD2] =	sst s25  }
0xa8: {  	s7 =	sshll.u32 s26, $0x1;
	_ =	strace $0x80000049;
	[dreg:$0x1] =	wrdreg $0xFFFFFFFF  }
0xa9: {  	s28 =	simm.s32 $_size_execute0_lowered;
	s5 =	sadd.s32 s5, s7;
	[dreg:$0x0] =	wrdreg $0x0  }
0xaa: {  	s7 =	sshll.u32 s28, $0x1;
	[dreg:$0x2] =	wrdreg s5  }
0xab: {  	[dreg:$0x3] =	wrdreg s7  }
0xac: {  	[dreg:$0x4] =	wrdreg $0xC0  }
0xad: {  	_ =	task [dreg:s9], $0x5FFFF  }
0xae: {  	[dreg:$0x1] =	wrdreg $0xFFFFFFFF  }
0xaf: {  	[dreg:$0x0] =	wrdreg $0x60  }
0xb0: {  	[dreg:$0x2] =	wrdreg s24  }
0xb1: {  	[dreg:$0x3] =	wrdreg s2  }
0xb2: {  	[dreg:$0x4] =	wrdreg s18  }
0xb3: {  	[dreg:$0x5] =	wrdreg s4  }
0xb4: {  	[dreg:$0x6] =	wrdreg $0x9  }
0xb5: {  	_ =	task.clear_ibuf [dreg:s9], $0x7FFFF;
	_ =	strace $0x90000049  }
0xb6: {  	s29 =	simm.s32 $0x9;
	_ =	strace $0x8000004B  }
0xb7: {  	_ =	swait.ge [sflag:s29], $0x1  }
0xb8: {  	[sflag:s29] =	ssyncadd.s32 $0xFFFFFFFF  }
0xb9: {  	_ =	strace $0x9000004B  }
0xba: {  	_ =	sfence  }
0xbb: {  	s30 =	sld [smem:$0x0];
	_ =	sdelay $0x2  }
0xbc: {  	s31 =	sshll.u32 s1, $0xD;
	s1 =	sshrl.u32 s1, $0x2  }
0xbd: {  	s3 =	sand.u32 $0x4000, s31;
	s1 =	sadd.s32 s1, s30  }
0xbe: {  	s0 =	sor.u32 s3, s0;
	s1 =	sshll.u32 s1, $0x11  }
0xbf: {  	s0 =	sor.u32 s1, s0  }
0xc0: {  	s0 =	sadd.s32 $0x8F2B, s0  }
0xc1: {  	[sflag:s0] =	ssyncadd.remote.s32 $0x1  }
0xc2: {  	_ =	sfence.sel $0xFFFF  }
0xc3: {  	[dreg:$0x0] =	wrdreg $0xFFFFFFFF;
	(pc) =	sbr.abs _section_cstart, $3  }
0xc4: {  	[dreg:$0x1] =	wrdreg $0xFFFFFFFF  }
0xc5: {  	_ =	task.clear_ibuf [dreg:s9], $0x2FFFF;
	_ =	strace $0x9FFFFFFF  }
0xc6: {  	(tm) =	ssettm $0x7FFFFFFF  }
0xc7: {  	_ =	shalt  }
tec
execute0_lowered:
.L_overlay_start_1:
0x0: {  	(tag) =	ssettag $0x1  }
0x1: {  	s5 =	rddreg [dreg:$0x0]  }
0x2: {  	s7 =	rddreg [dreg:$0x1]  }
0x3: {  	s9 =	rddreg [dreg:$0x2]  }
0x4: {  	s11 =	rddreg [dreg:$0x3];
	s2 =	simm.s32 $0x0;
	s3 =	srdreg.scid  }
0x5: {  	s1 =	stileid.u32;
	s19 =	simm.s32 $0x9080;
	s20 =	simm.s32 $0xA080  }
0x6: {  	s21 =	simm.s32 $0xB080;
	s22 =	simm.s32 $0xC080;
	s23 =	simm.s32 $0x1  }
0x7: {  	s24 =	simm.s32 $0x9000;
	s25 =	simm.s32 $0x0;
	s12 =	sand.u32 $0x1, s3  }
0x8: {  	s26 =	sshll.u32 s1, $0x1;
	s6 =	smul.u32 $0x1C0000, s1;
	[smem:$0x7FF] =	sst s2  }
0x9: {  	s3 =	sadd.s32 $0x112FC00, s5;
	s4 =	sadd.s32 $0x10CE000, s5;
	s15 =	sshll.u32 s1, $0x10  }
0xa: {  	s8 =	sor.u32 s12, s26;
	s10 =	smul.u32 $0xE0000, s12;
	_ =	strace $0x8000004A  }
0xb: {  	s30 =	ssub.s32 $0x2, s12;
	s15 =	sadd.s32 s15, s5;
	s18 =	sshll.u32 s12, $0xF  }
0xc: {  	s13 =	smul.u32 $0xE00, s8;
	s29 =	sshll.u32 s8, $0xA;
	s16 =	sshll.u32 s8, $0x9  }
0xd: {  	s17 =	sshrl.u32 s30, $0x1;
	s31 =	sshll.u32 s8, $0x4;
	s15 =	sadd.s32 s18, s15  }
0xe: {  	s18 =	simm.s32 $0x80;
	s6 =	sadd.s32 s10, s6;
	s16 =	sadd.s32 s16, s5  }
0xf: {  	s17 =	ssub.s32 s30, s17;
	s7 =	sadd.s32 s7, s31;
	s9 =	sadd.s32 s9, s31  }
0x10: {  	s11 =	sadd.s32 s11, s31;
	s15 =	sadd.s32 $0xF9B600, s15;
	s28 =	sadd.s32 s13, s5  }
0x11: {  	s6 =	sshrl.u32 s6, $0x3;
	s13 =	sadd.s32 s29, s5;
	s8 =	sadd.s32 $0xF8F600, s16  }
0x12: {  	s10 =	sadd.s32 $0xF93600, s16;
	s12 =	sadd.s32 $0xF97600, s16;
	s16 =	simm.s32 $0x2  }
0x13: {  	s14 =	sadd.s32 s6, s5;
	s5 =	sadd.s32 $0xF63600, s28;
	s6 =	sadd.s32 $0xF87600, s13  }
0x14: {  	s13 =	smax.u32 s17, $0x1;
	s17 =	simm.s32 $0x7000;
	s14 =	sadd.s32 $0x5200, s14  }
.LBB2_1:
0x15: {  	[tilespmem:s2], [sflag:$0x2] =	stream.linear.gather [hbm4b:s5+s2], $0x7000, $0x38;
	[tilespmem:$0xD080] =	vst v63  }
0x16: {  	_ =	swait.ge [sflag:s16], $0x7000  }
0x17: {  	[sflag:s16] =	ssyncset.done $0x0  }
0x18: {  	[sflag:s16] =	ssyncadd.s32 $0xFFFF9000  }
0x19: {  	[tilespmem:s17], [sflag:$0x2] =	stream.linear.gather [hbm4b:s6+s2], $0x2000, $0x38;
	[tilespmem:$0xD080] =	vst v63  }
0x1a: {  	_ =	swait.ge [sflag:s16], $0x2000  }
0x1b: {  	[sflag:s16] =	ssyncset.done $0x0  }
0x1c: {  	s26 =	simm.s32 $0x0;
	[sflag:s16] =	ssyncadd.s32 $0xFFFFE000  }
0x1d: {  	[tilespmem:s19], [sflag:$0x1] =	stream.indirect.gather [hbm4b:s3+s18], $0x20, s26, s18, $0xb8;
	[tilespmem:$0xD080] =	vst v63  }
0x1e: {  	s0 =	simm.s32 $0x80  }
0x1f: {  	[tilespmem:s20], [sflag:$0x1] =	stream.indirect.gather [hbm4b:s3+s18], $0x20, s0, s18, $0xb8;
	[tilespmem:$0xD080] =	vst v63  }
0x20: {  	s28 =	simm.s32 $0x100  }
0x21: {  	[tilespmem:s21], [sflag:$0x1] =	stream.indirect.gather [hbm4b:s3+s18], $0x20, s28, s18, $0xb8;
	[tilespmem:$0xD080] =	vst v63  }
0x22: {  	s30 =	simm.s32 $0x180  }
0x23: {  	[tilespmem:s22], [sflag:$0x1] =	stream.indirect.gather [hbm4b:s3+s18], $0x20, s30, s18, $0xb8;
	[tilespmem:$0xD080] =	vst v63  }
0x24: {  	_ =	swait.ge [sflag:s23], $0x1000  }
0x25: {  	[sflag:s23] =	ssyncset.done $0x0  }
0x26: {  	[sflag:s23] =	ssyncadd.s32 $0xFFFFF000  }
0x27: {  	_ =	swait.ge [sflag:s23], $0x1000  }
0x28: {  	[sflag:s23] =	ssyncset.done $0x0  }
0x29: {  	[sflag:s23] =	ssyncadd.s32 $0xFFFFF000  }
0x2a: {  	_ =	swait.ge [sflag:s23], $0x1000  }
0x2b: {  	[sflag:s23] =	ssyncset.done $0x0  }
0x2c: {  	[sflag:s23] =	ssyncadd.s32 $0xFFFFF000  }
0x2d: {  	_ =	swait.ge [sflag:s23], $0x1000  }
0x2e: {  	[sflag:s23] =	ssyncset.done $0x0  }
0x2f: {  	s31 =	sadd.s32 $0x0, s14;
	[sflag:s23] =	ssyncadd.s32 $0xFFFFF000  }
0x30: {  	[hbm4b:s31+s2] =	stream.linear.scatter [tilespmem:s19], [sflag:$0x2], $0x4000, $0x38;
	[tilespmem:$0xD080] =	vst v63  }
0x31: {  	_ =	swait.ge [sflag:s16], $0x4000  }
0x32: {  	s29 =	simm.s32 $0x1000;
	s26 =	simm.s32 $0x800;
	[sflag:s16] =	ssyncset.done $0x0  }
.LBB2_2:
0x33: {  	s28 =	sshra.s32 s26, $0x2  }
0x34: {  	[sflag:s16] =	ssyncadd.s32 $0xFFFFC000;
	s30 =	smov.u32 s29;
	s31 =	sadd.s32 $0x800, s29  }
0x35: {  	[tilespmem:s19], [sflag:$0x1] =	stream.indirect.gather [hbm4b:s3+s18], $0x20, s28, s18, $0xb8;
	[tilespmem:$0xD080] =	vst v63  }
0x36: {  	p0 =	sne.s32 s29, $0x1B800;
	s29 =	sadd.s32 $0x80, s28  }
0x37: {  	[tilespmem:s20], [sflag:$0x1] =	stream.indirect.gather [hbm4b:s3+s18], $0x20, s29, s18, $0xb8;
	[tilespmem:$0xD080] =	vst v63  }
0x38: {  	s29 =	sadd.s32 $0x100, s28  }
0x39: {  	[tilespmem:s21], [sflag:$0x1] =	stream.indirect.gather [hbm4b:s3+s18], $0x20, s29, s18, $0xb8;
	[tilespmem:$0xD080] =	vst v63  }
0x3a: {  	s28 =	sadd.s32 $0x180, s28  }
0x3b: {  	[tilespmem:s22], [sflag:$0x1] =	stream.indirect.gather [hbm4b:s3+s18], $0x20, s28, s18, $0xb8;
	[tilespmem:$0xD080] =	vst v63  }
0x3c: {  	_ =	swait.ge [sflag:s23], $0x1000  }
0x3d: {  	[sflag:s23] =	ssyncset.done $0x0  }
0x3e: {  	[sflag:s23] =	ssyncadd.s32 $0xFFFFF000  }
0x3f: {  	_ =	swait.ge [sflag:s23], $0x1000  }
0x40: {  	[sflag:s23] =	ssyncset.done $0x0  }
0x41: {  	[sflag:s23] =	ssyncadd.s32 $0xFFFFF000  }
0x42: {  	_ =	swait.ge [sflag:s23], $0x1000  }
0x43: {  	[sflag:s23] =	ssyncset.done $0x0  }
0x44: {  	[sflag:s23] =	ssyncadd.s32 $0xFFFFF000  }
0x45: {  	_ =	swait.ge [sflag:s23], $0x1000  }
.Ltmp0:
0x46: {  	[sflag:s23] =	ssyncset.done $0x0;
	(pc) =	sbr.rel @p0 .LBB2_2-.Ltmp0, $4  }
0x47: {  	s26 =	sadd.s32 s26, s14;
	s28 =	simm.s32 $0x0;
	[sflag:s23] =	ssyncadd.s32 $0xFFFFF000  }
0x48: {  	[hbm4b:s26+s28] =	stream.linear.scatter [tilespmem:s19], [sflag:$0x2], $0x4000, $0x38;
	[tilespmem:$0xD080] =	vst v63  }
0x49: {  	s26 =	smov.u32 s30;
	_ =	swait.ge [sflag:s16], $0x4000  }
0x4a: {  	s29 =	smov.u32 s31;
	[sflag:s16] =	ssyncset.done $0x0  }
0x4b: {  	s29 =	sshra.s32 s26, $0x2;
	[sflag:s16] =	ssyncadd.s32 $0xFFFFC000  }
0x4c: {  	[tilespmem:s19], [sflag:$0x1] =	stream.indirect.gather [hbm4b:s3+s18], $0x20, s29, s18, $0xb8;
	[tilespmem:$0xD080] =	vst v63  }
0x4d: {  	s30 =	sadd.s32 $0x80, s29  }
0x4e: {  	[tilespmem:s20], [sflag:$0x1] =	stream.indirect.gather [hbm4b:s3+s18], $0x20, s30, s18, $0xb8;
	[tilespmem:$0xD080] =	vst v63  }
0x4f: {  	s0 =	sadd.s32 $0x100, s29  }
0x50: {  	[tilespmem:s21], [sflag:$0x1] =	stream.indirect.gather [hbm4b:s3+s18], $0x20, s0, s18, $0xb8;
	[tilespmem:$0xD080] =	vst v63  }
0x51: {  	s29 =	sadd.s32 $0x180, s29  }
0x52: {  	[tilespmem:s22], [sflag:$0x1] =	stream.indirect.gather [hbm4b:s3+s18], $0x20, s29, s18, $0xb8;
	[tilespmem:$0xD080] =	vst v63  }
0x53: {  	_ =	swait.ge [sflag:s23], $0x1000  }
0x54: {  	[sflag:s23] =	ssyncset.done $0x0  }
0x55: {  	[sflag:s23] =	ssyncadd.s32 $0xFFFFF000  }
0x56: {  	_ =	swait.ge [sflag:s23], $0x1000  }
0x57: {  	[sflag:s23] =	ssyncset.done $0x0  }
0x58: {  	[sflag:s23] =	ssyncadd.s32 $0xFFFFF000  }
0x59: {  	_ =	swait.ge [sflag:s23], $0x1000  }
0x5a: {  	[sflag:s23] =	ssyncset.done $0x0  }
0x5b: {  	[sflag:s23] =	ssyncadd.s32 $0xFFFFF000  }
0x5c: {  	_ =	swait.ge [sflag:s23], $0x1000  }
0x5d: {  	p1 =	por $0x1, $0x1;
	[sflag:s23] =	ssyncset.done $0x0  }
.Ltmp1:
0x5e: {  	s31 =	sadd.s32 s26, s14;
	[sflag:s23] =	ssyncadd.s32 $0xFFFFF000;
	(pc) =	sbr.rel @!p1 .LBB2_8-.Ltmp1, $4  }
0x5f: {  	[hbm4b:s31+s28] =	stream.linear.scatter [tilespmem:s19], [sflag:$0x2], $0x4000, $0x38;
	[tilespmem:$0xD080] =	vst v63  }
0x60: {  	_ =	swait.ge [sflag:s16], $0x4000  }
0x61: {  	s26 =	simm.s32 $0x800;
	[sflag:s16] =	ssyncset.done $0x0  }
0x62: {  	p0 =	por $0x0, $0x0;
	s29 =	simm.s32 $0x0;
	[sflag:s16] =	ssyncadd.s32 $0xFFFFC000  }
0x63: {  	s28 =	simm.s32 $0x7000  }
0x64: {  	[tilespmem:s19], [sflag:$0x1] =	stream.indirect.gather [hbm4b:s4+s18], $0x20, s28, s18, $0xb8;
	[tilespmem:$0xD080] =	vst v63  }
0x65: {  	s28 =	simm.s32 $0x7080  }
0x66: {  	[tilespmem:s20], [sflag:$0x1] =	stream.indirect.gather [hbm4b:s4+s18], $0x20, s28, s18, $0xb8;
	[tilespmem:$0xD080] =	vst v63  }
0x67: {  	s28 =	simm.s32 $0x7100  }
0x68: {  	[tilespmem:s21], [sflag:$0x1] =	stream.indirect.gather [hbm4b:s4+s18], $0x20, s28, s18, $0xb8;
	[tilespmem:$0xD080] =	vst v63  }
0x69: {  	s28 =	simm.s32 $0x7180  }
0x6a: {  	[tilespmem:s22], [sflag:$0x1] =	stream.indirect.gather [hbm4b:s4+s18], $0x20, s28, s18, $0xb8;
	[tilespmem:$0xD080] =	vst v63  }
0x6b: {  	_ =	swait.ge [sflag:s23], $0x1000  }
0x6c: {  	[sflag:s23] =	ssyncset.done $0x0  }
0x6d: {  	[sflag:s23] =	ssyncadd.s32 $0xFFFFF000  }
0x6e: {  	_ =	swait.ge [sflag:s23], $0x1000  }
0x6f: {  	[sflag:s23] =	ssyncset.done $0x0  }
0x70: {  	[sflag:s23] =	ssyncadd.s32 $0xFFFFF000  }
0x71: {  	_ =	swait.ge [sflag:s23], $0x1000  }
0x72: {  	[sflag:s23] =	ssyncset.done $0x0  }
0x73: {  	[sflag:s23] =	ssyncadd.s32 $0xFFFFF000  }
0x74: {  	p1 =	por $0x1, $0x1;
	_ =	swait.ge [sflag:s23], $0x1000  }
.Ltmp2:
0x75: {  	[sflag:s23] =	ssyncset.done $0x0;
	(pc) =	sbr.rel @!p1 .LBB2_5-.Ltmp2, $4  }
0x76: {  	s28 =	sadd.s32 $0x0, s15;
	[sflag:s23] =	ssyncadd.s32 $0xFFFFF000  }
0x77: {  	[hbm4b:s28+s2] =	stream.linear.scatter [tilespmem:s19], [sflag:$0x2], $0x4000, $0x38;
	[tilespmem:$0xD080] =	vst v63  }
0x78: {  	s29 =	simm.s32 $0x200;
	_ =	swait.ge [sflag:s16], $0x4000  }
0x79: {  	p0 =	por $0x1, $0x1;
	s28 =	simm.s32 $0x1000;
	[sflag:s16] =	ssyncset.done $0x0  }
.LBB2_6:
0x7a: {  	s30 =	sadd.s32 $0x7000, s29  }
0x7b: {  	[sflag:s16] =	ssyncadd.s32 $0xFFFFC000;
	s31 =	smov.u32 s28;
	s0 =	sadd.s32 $0x800, s28  }
0x7c: {  	[tilespmem:s19], [sflag:$0x1] =	stream.indirect.gather [hbm4b:s4+s18], $0x20, s30, s18, $0xb8;
	[tilespmem:$0xD080] =	vst v63  }
0x7d: {  	p1 =	sne.s32 s28, $0x7800;
	s28 =	sadd.s32 $0x7080, s29  }
0x7e: {  	[tilespmem:s20], [sflag:$0x1] =	stream.indirect.gather [hbm4b:s4+s18], $0x20, s28, s18, $0xb8;
	[tilespmem:$0xD080] =	vst v63  }
0x7f: {  	s28 =	sadd.s32 $0x7100, s29  }
0x80: {  	[tilespmem:s21], [sflag:$0x1] =	stream.indirect.gather [hbm4b:s4+s18], $0x20, s28, s18, $0xb8;
	[tilespmem:$0xD080] =	vst v63  }
0x81: {  	s28 =	sadd.s32 $0x7180, s29  }
0x82: {  	[tilespmem:s22], [sflag:$0x1] =	stream.indirect.gather [hbm4b:s4+s18], $0x20, s28, s18, $0xb8;
	[tilespmem:$0xD080] =	vst v63  }
0x83: {  	_ =	swait.ge [sflag:s23], $0x1000  }
0x84: {  	[sflag:s23] =	ssyncset.done $0x0  }
0x85: {  	[sflag:s23] =	ssyncadd.s32 $0xFFFFF000  }
0x86: {  	_ =	swait.ge [sflag:s23], $0x1000  }
0x87: {  	[sflag:s23] =	ssyncset.done $0x0  }
0x88: {  	[sflag:s23] =	ssyncadd.s32 $0xFFFFF000  }
0x89: {  	_ =	swait.ge [sflag:s23], $0x1000  }
0x8a: {  	[sflag:s23] =	ssyncset.done $0x0  }
0x8b: {  	[sflag:s23] =	ssyncadd.s32 $0xFFFFF000  }
0x8c: {  	_ =	swait.ge [sflag:s23], $0x1000  }
.Ltmp3:
0x8d: {  	[sflag:s23] =	ssyncset.done $0x0;
	(pc) =	sbr.rel @p1 .LBB2_6-.Ltmp3, $4  }
0x8e: {  	s28 =	sadd.s32 s26, s15;
	s26 =	smov.u32 s31;
	[sflag:s23] =	ssyncadd.s32 $0xFFFFF000  }
0x8f: {  	[hbm4b:s28+s2] =	stream.linear.scatter [tilespmem:s19], [sflag:$0x2], $0x4000, $0x38;
	[tilespmem:$0xD080] =	vst v63  }
0x90: {  	_ =	swait.ge [sflag:s16], $0x4000  }
0x91: {  	s29 =	sshra.s32 s26, $0x2;
	s28 =	smov.u32 s0;
	[sflag:s16] =	ssyncset.done $0x0  }
0x92: {  	s28 =	smov.u32 s26  }
.LBB2_8:
0x93: {  	s0 =	sadd.s32 $0x7000, s29;
	[sflag:s16] =	ssyncadd.s32 @p0 $0xFFFFC000  }
0x94: {  	[tilespmem:s19], [sflag:$0x1] =	stream.indirect.gather [hbm4b:s4+s18], $0x20, s0, s18, $0xb8;
	[tilespmem:$0xD080] =	vst v63  }
0x95: {  	s31 =	sadd.s32 $0x7080, s29  }
0x96: {  	[tilespmem:s20], [sflag:$0x1] =	stream.indirect.gather [hbm4b:s4+s18], $0x20, s31, s18, $0xb8;
	[tilespmem:$0xD080] =	vst v63  }
0x97: {  	s26 =	sadd.s32 $0x7100, s29  }
0x98: {  	[tilespmem:s21], [sflag:$0x1] =	stream.indirect.gather [hbm4b:s4+s18], $0x20, s26, s18, $0xb8;
	[tilespmem:$0xD080] =	vst v63  }
0x99: {  	s30 =	sadd.s32 $0x7180, s29  }
0x9a: {  	[tilespmem:s22], [sflag:$0x1] =	stream.indirect.gather [hbm4b:s4+s18], $0x20, s30, s18, $0xb8;
	[tilespmem:$0xD080] =	vst v63  }
0x9b: {  	_ =	swait.ge [sflag:s23], $0x1000  }
0x9c: {  	[sflag:s23] =	ssyncset.done $0x0  }
0x9d: {  	[sflag:s23] =	ssyncadd.s32 $0xFFFFF000  }
0x9e: {  	_ =	swait.ge [sflag:s23], $0x1000  }
0x9f: {  	[sflag:s23] =	ssyncset.done $0x0  }
0xa0: {  	[sflag:s23] =	ssyncadd.s32 $0xFFFFF000  }
0xa1: {  	_ =	swait.ge [sflag:s23], $0x1000  }
0xa2: {  	[sflag:s23] =	ssyncset.done $0x0  }
0xa3: {  	[sflag:s23] =	ssyncadd.s32 $0xFFFFF000  }
0xa4: {  	_ =	swait.ge [sflag:s23], $0x1000  }
0xa5: {  	[sflag:s23] =	ssyncset.done $0x0  }
0xa6: {  	s31 =	sadd.s32 s28, s15;
	[sflag:s23] =	ssyncadd.s32 $0xFFFFF000  }
0xa7: {  	[hbm4b:s31+s2] =	stream.linear.scatter [tilespmem:s19], [sflag:$0x2], $0x4000, $0x38;
	[tilespmem:$0xD080] =	vst v63  }
0xa8: {  	_ =	swait.ge [sflag:s16], $0x4000  }
0xa9: {  	[sflag:s16] =	ssyncset.done $0x0  }
0xaa: {  	[sflag:s16] =	ssyncadd.s32 $0xFFFFC000  }
0xab: {  	[tilespmem:s24], [sflag:$0x2] =	stream.linear.gather [hbm4b:s7+s2], $0x80, $0x38;
	[tilespmem:$0xD080] =	vst v63  }
0xac: {  	_ =	swait.ge [sflag:s16], $0x80  }
0xad: {  	[sflag:s16] =	ssyncset.done $0x0  }
0xae: {  	[sflag:s16] =	ssyncadd.s32 $0xFFFFFF80  }
0xaf: {  	[tilespmem:s19], [sflag:$0x1] =	stream.indirect.gather [hbm4b:s4+s18], $0x20, s24, s18, $0xb8;
	[tilespmem:$0xD080] =	vst v63  }
0xb0: {  	_ =	swait.ge [sflag:s23], $0x1000  }
0xb1: {  	[sflag:s23] =	ssyncset.done $0x0  }
0xb2: {  	[sflag:s23] =	ssyncadd.s32 $0xFFFFF000  }
0xb3: {  	[hbm4b:s8+s2] =	stream.linear.scatter [tilespmem:s19], [sflag:$0x2], $0x1000, $0x38;
	[tilespmem:$0xD080] =	vst v63  }
0xb4: {  	_ =	swait.ge [sflag:s16], $0x1000  }
0xb5: {  	[sflag:s16] =	ssyncset.done $0x0  }
0xb6: {  	[sflag:s16] =	ssyncadd.s32 $0xFFFFF000  }
0xb7: {  	[tilespmem:s24], [sflag:$0x2] =	stream.linear.gather [hbm4b:s9+s2], $0x80, $0x38;
	[tilespmem:$0xD080] =	vst v63  }
0xb8: {  	_ =	swait.ge [sflag:s16], $0x80  }
0xb9: {  	[sflag:s16] =	ssyncset.done $0x0  }
0xba: {  	[sflag:s16] =	ssyncadd.s32 $0xFFFFFF80  }
0xbb: {  	[tilespmem:s19], [sflag:$0x1] =	stream.indirect.gather [hbm4b:s3+s18], $0x20, s24, s18, $0xb8;
	[tilespmem:$0xD080] =	vst v63  }
0xbc: {  	_ =	swait.ge [sflag:s23], $0x1000  }
0xbd: {  	[sflag:s23] =	ssyncset.done $0x0  }
0xbe: {  	[sflag:s23] =	ssyncadd.s32 $0xFFFFF000  }
0xbf: {  	[hbm4b:s10+s2] =	stream.linear.scatter [tilespmem:s19], [sflag:$0x2], $0x1000, $0x38;
	[tilespmem:$0xD080] =	vst v63  }
0xc0: {  	_ =	swait.ge [sflag:s16], $0x1000  }
0xc1: {  	[sflag:s16] =	ssyncset.done $0x0  }
0xc2: {  	[sflag:s16] =	ssyncadd.s32 $0xFFFFF000  }
0xc3: {  	[tilespmem:s24], [sflag:$0x2] =	stream.linear.gather [hbm4b:s11+s2], $0x80, $0x38;
	[tilespmem:$0xD080] =	vst v63  }
0xc4: {  	_ =	swait.ge [sflag:s16], $0x80  }
0xc5: {  	[sflag:s16] =	ssyncset.done $0x0  }
0xc6: {  	[sflag:s16] =	ssyncadd.s32 $0xFFFFFF80  }
0xc7: {  	[tilespmem:s19], [sflag:$0x1] =	stream.indirect.gather [hbm4b:s3+s18], $0x20, s24, s18, $0xb8;
	[tilespmem:$0xD080] =	vst v63  }
0xc8: {  	_ =	swait.ge [sflag:s23], $0x1000  }
0xc9: {  	s25 =	sadd.s32 $0x1, s25;
	[sflag:s23] =	ssyncset.done $0x0  }
0xca: {  	p0 =	sne.s32 s25, s13;
	[sflag:s23] =	ssyncadd.s32 $0xFFFFF000  }
0xcb: {  	[hbm4b:s12+s2] =	stream.linear.scatter [tilespmem:s19], [sflag:$0x2], $0x1000, $0x38;
	[tilespmem:$0xD080] =	vst v63  }
.Ltmp4:
0xcc: {  	_ = 	snop;
	(pc) =	sbr.rel @p0 .LBB2_1-.Ltmp4, $4  }
.Ltmp5:
0xcd: {  	_ = 	snop;
	(pc) =	sbr.rel @!p0 .LBB2_9-.Ltmp5, $4  }
0xce: {  	_ =	swait.ge [sflag:s16], $0x1000  }
0xcf: {  	[sflag:s16] =	ssyncset.done $0x0  }
0xd0: {  	[sflag:s16] =	ssyncadd.s32 $0xFFFFF000  }
0xd1: {  	_ = 	snop  }
.LBB2_5:
.Ltmp6:
0xd2: {  	(pc) =	sbr.rel .LBB2_8-.Ltmp6, $2  }
0xd3: {  	_ =	sdelay $0x2  }
0xd4: {  	s28 =	simm.s32 $0x800  }
.LBB2_9:
0xd5: {  	_ =	sfence.sel $0x180000  }
0xd6: {  	[bflag:$0x0] =	sbarrier.arrive $0xFFFF  }
0xd7: {  	_ =	strace $0x9000004A  }
0xd8: {  	[bflag:$0x2] =	sbarrier.arrive $0xFFFF  }
0xd9: {  	p0 =	sne.s32 s1, $0x0;
	s0 =	rddreg [dreg:$0x4]  }
0xda: {  	s0 =	sadd.s32 @!p0 $0x100000, s0  }
0xdb: {  	[sflag:s0] =	ssyncadd.tile.s32 @!p0 $0x1;
	_ =	shalt  }
.Lfunc_end2:
_tile_overlayer_lowered:
.L_overlay_start_2:
0xdc: {  	(tag) =	ssettag $0x2  }
0xdd: {  	s0 =	rddreg [dreg:$0x0];
	s2 =	stileid.u32  }
0xde: {  	s1 =	rddreg [dreg:$0x1];
	p0 =	sne.s32 s2, $0x0  }
0xdf: {  	s3 =	rddreg [dreg:$0x2];
	[bflag:$0x3] =	sbarrier.arrive $0xFFFF;
	s2 =	simm.s32 @!p0 $0x1C02  }
0xe0: {  	[timem:s3], [sflag:s2] =	dma.local @!p0 [hbm:s0], s1  }
0xe1: {  	s0 =	simm.s32 @!p0 $0x2  }
0xe2: {  	_ =	swait.ge @!p0 [sflag:s0], s1  }
0xe3: {  	s1 =	ssub.s32 @!p0 $0x0, s1;
	[sflag:s0] =	ssyncset.done @!p0 $0x0  }
0xe4: {  	[sflag:s0] =	ssyncadd.s32 @!p0 s1  }
0xe5: {  	[bflag:$0x3] =	sbarrier.arrive $0xFFFF  }
0xe6: {  	_ =	shalt  }

// kernel: sparse-core-data-format-call.cloned.1.call-start
scs
called_computation_lowered:
.L_overlay_start_0:
0x0: {  	s2 =	sld [smem:$0x3FD9]  }
0x1: {  	s3 =	sld [smem:$0x3FFE];
	_ =	sdelay $0x1  }
0x2: {  	s1 =	srdreg.scid  }
0x3: {  	s0 =	sand.u32 $0x1, s1  }
0x4: {  	s18 =	sshll.u32 s0, $0xA;
	s2 =	sadd.s32 s3, s2  }
0x5: {  	s2 =	sadd.s32 s2, s18  }
0x6: {  	[smem:$0x3FA9] =	sst s2  }
0x7: {  	_ = 	snop  }
0x8: {  	s2 =	sld [smem:$0x3FBB];
	(tm) =	ssettm $0x1  }
0x9: {  	s19 =	sld [smem:$0x3FFB];
	_ =	sdelay $0x3  }
0xa: {  	_ =	strace s19  }
0xb: {  	s3 =	sld [smem:$0x3FFC];
	_ =	sdelay $0x3  }
0xc: {  	_ =	strace s3  }
0xd: {  	s3 =	sld [smem:$0x3FFD];
	_ =	sdelay $0x3  }
0xe: {  	_ =	strace s3  }
0xf: {  	_ =	strace $0x8FFFFFFF  }
0x10: {  	s20 =	sld [smem:$0x3FDB];
	_ =	sdelay $0x1  }
0x11: {  	s4 =	simm.s32 $_scs_section_size  }
0x12: {  	s5 =	simm.s32 $_size__tile_overlayer_lowered;
	s6 =	simm.s32 $_tile_overlayer_lowered  }
0x13: {  	s23 =	simm.s32 $0x1BFF;
	s22 =	sshll.u32 s6, $0x1;
	s3 =	sadd.s32 s4, s20  }
0x14: {  	s7 =	simm.s32 $0x0;
	s21 =	sshll.u32 s5, $0x1;
	s5 =	sadd.s32 s22, s3  }
0x15: {  	[timem:s7], [sflag:s23] =	dma.local [hbm:s5], s21  }
0x16: {  	_ =	swait.ge [sflag:s23], s21  }
0x17: {  	s4 =	ssub.s32 $0x0, s21;
	[sflag:s23] =	ssyncset.done $0x0  }
0x18: {  	[sflag:s23] =	ssyncadd.s32 s4;
	_ =	sdelay $0x1  }
0x19: {  	s24 =	simm.s32 $0x1B8B  }
0x1a: {  	_ =	swait.ge [sflag:s24], $0x1  }
0x1b: {  	[sflag:s24] =	ssyncset.done $0x0  }
0x1c: {  	s26 =	simm.s32 $0x1B8E;
	s25 =	sld [smem:$0x3FFE];
	[sflag:s24] =	ssyncadd.s32 $0xFFFFFFFF  }
0x1d: {  	s27 =	simm.s32 $execute0_lowered;
	[smem:$0x3FD2] =	sst s26  }
0x1e: {  	s5 =	sshll.u32 s27, $0x1;
	_ =	strace $0x80000046;
	[dreg:$0x1] =	wrdreg $0xFFFFFFFF  }
0x1f: {  	s28 =	simm.s32 $_size_execute0_lowered;
	s3 =	sadd.s32 s3, s5;
	[dreg:$0x0] =	wrdreg $0x0  }
0x20: {  	s5 =	sshll.u32 s28, $0x1;
	[dreg:$0x2] =	wrdreg s3  }
0x21: {  	[dreg:$0x3] =	wrdreg s5  }
0x22: {  	[dreg:$0x4] =	wrdreg $0xC0  }
0x23: {  	_ =	task [dreg:s7], $0x5FFFF  }
0x24: {  	[dreg:$0x1] =	wrdreg $0xFFFFFFFF  }
0x25: {  	[dreg:$0x0] =	wrdreg $0x60  }
0x26: {  	[dreg:$0x2] =	wrdreg s2  }
0x27: {  	[dreg:$0x3] =	wrdreg s25  }
0x28: {  	[dreg:$0x4] =	wrdreg $0x9  }
0x29: {  	_ =	task.clear_ibuf [dreg:s7], $0x5FFFF;
	_ =	strace $0x90000046  }
0x2a: {  	s29 =	simm.s32 $0x9;
	_ =	strace $0x80000048  }
0x2b: {  	_ =	swait.ge [sflag:s29], $0x1  }
0x2c: {  	[sflag:s29] =	ssyncadd.s32 $0xFFFFFFFF  }
0x2d: {  	_ =	strace $0x90000048  }
0x2e: {  	_ =	sfence  }
0x2f: {  	s30 =	sld [smem:$0x0];
	_ =	sdelay $0x2  }
0x30: {  	s31 =	sshll.u32 s1, $0xD;
	s1 =	sshrl.u32 s1, $0x2  }
0x31: {  	s3 =	sand.u32 $0x4000, s31;
	s1 =	sadd.s32 s1, s30  }
0x32: {  	s0 =	sor.u32 s3, s0;
	s1 =	sshll.u32 s1, $0x11  }
0x33: {  	s0 =	sor.u32 s1, s0  }
0x34: {  	s0 =	sadd.s32 $0x8F2B, s0  }
0x35: {  	[sflag:s0] =	ssyncadd.remote.s32 $0x1  }
0x36: {  	_ =	sfence.sel $0xFFFF  }
0x37: {  	[dreg:$0x0] =	wrdreg $0xFFFFFFFF;
	(pc) =	sbr.abs _section_cstart, $3  }
0x38: {  	[dreg:$0x1] =	wrdreg $0xFFFFFFFF  }
0x39: {  	_ =	task.clear_ibuf [dreg:s7], $0x2FFFF;
	_ =	strace $0x9FFFFFFF  }
0x3a: {  	(tm) =	ssettm $0x7FFFFFFF  }
0x3b: {  	_ =	shalt  }
tec
execute0_lowered:
.L_overlay_start_1:
0x0: {  	(tag) =	ssettag $0x1  }
0x1: {  	s0 =	srdreg.scid;
	s2 =	rddreg [dreg:$0x0]  }
0x2: {  	s5 =	rddreg [dreg:$0x1];
	s1 =	stileid.u32  }
0x3: {  	s4 =	simm.s32 $0x1;
	s6 =	simm.s32 $0x2;
	s15 =	simm.s32 $0x0  }
0x4: {  	p0 =	por $0x0, $0x0;
	s8 =	simm.s32 $0x80;
	s0 =	sshll.u32 s0, $0x4  }
0x5: {  	s14 =	simm.s32 $0x0;
	s9 =	simm.s32 $0x0;
	s3 =	sand.u32 $0x10, s0  }
.Ltmp0:
0x6: {  	s10 =	simm.s32 $0x0;
	s3 =	sor.u32 s1, s3;
	(pc) =	sbr.rel .LBB1_1-.Ltmp0, $4  }
0x7: {  	s0 =	rddreg [dreg:$0x2];
	_ =	strace $0x80000047;
	s3 =	sshll.u32 s3, $0x7  }
0x8: {  	s12 =	simm.s32 $0x0;
	[sflag:s4] =	ssyncpa.u1 $0x0;
	s7 =	ssub.s32 $0xF4200, s3  }
0x9: {  	s13 =	simm.s32 $0x0;
	[sflag:s6] =	ssyncpa.u1 $0x0;
	s6 =	sshrl.u32 s7, $0xC  }
0xa: {  	s5 =	sadd.s32 $0x5200, s5;
	s11 =	smov.u32 s3;
	s7 =	sadd.s32 $0x2, s6  }
.LBB1_5:
0xb: {  	p1 =	slt.u32 s13, $0x2  }
0xc: {  	s17 =	smov.u32 s15;
	p2 =	sgt.s32 @!p1 s15, $0xF41C0;
	s16 =	sshra.s32 @!p1 s15, $0x1F  }
0xd: {  	p3 =	sgt.s32 @!p1 s14, $0x60;
	s18 =	sshra.s32 @!p1 s14, $0x1F;
	p2 =	por !p2, p1  }
0xe: {  	s15 =	sand.u32 @!p1 s16, s15;
	p3 =	por !p3, p1;
	s16 =	smov.u32 s14  }
0xf: {  	s14 =	sand.u32 @!p1 s18, s14;
	s17 =	simm.s32 @p2 $0xF41C0;
	s16 =	simm.s32 @p3 $0x60  }
0x10: {  	s15 =	ssub.s32 @!p1 s17, s15;
	s14 =	ssub.s32 @!p1 s16, s14  }
0x11: {  	s18 =	smov.u32 s12;
	s16 =	sadd.s32 @!p1 $0xFFF0BE40, s15;
	s17 =	sadd.s32 @!p1 $0xFFFFFFA0, s14  }
0x12: {  	s15 =	ssub.s32 @!p1 $0xF4240, s15;
	p2 =	sgt.s32 @!p1 s16, $0x7F;
	p3 =	sgt.s32 @!p1 s17, $0x1F  }
0x13: {  	s14 =	ssub.s32 @!p1 $0x80, s14;
	p2 =	por !p2, p1;
	p3 =	por !p3, p1  }
0x14: {  	s16 =	sadd.s32 $0x1000, s11;
	s15 =	simm.s32 @!p2 $0x0;
	s14 =	simm.s32 @!p3 $0x0  }
0x15: {  	p2 =	sgt.s32 s16, $0xF423F;
	s14 =	smul.u32 @!p1 s14, s15;
	s15 =	sadd.s32 $0x20, s12  }
0x16: {  	s18 =	smov.u32 @p2 s15  }
0x17: {  	s16 =	smov.u32 @p2 s3;
	p2 =	sgt.s32 s18, $0x1F  }
0x18: {  	s18 =	simm.s32 @p2 $0x0;
	p2 =	sne.s32 s13, s7  }
.Ltmp1:
0x19: {  	p0 =	por !p0, !p0;
	s17 =	simm.s32 @!p1 $0x2;
	(pc) =	sbr.rel @!p2 .LBB1_6-.Ltmp1, $4  }
0x1a: {  	s15 =	smov.u32 s9;
	s9 =	smov.u32 s11;
	s14 =	sand.u32 @!p1 $0x3FFFFFFF, s14  }
0x1b: {  	s11 =	smov.u32 s16;
	_ =	swait.ge @!p1 [sflag:s17], s14;
	s19 =	ssub.s32 @!p1 $0x0, s14  }
0x1c: {  	s14 =	smov.u32 s10;
	s13 =	sadd.s32 $0x1, s13;
	[sflag:s17] =	ssyncset.done @!p1 $0x0  }
0x1d: {  	s10 =	smov.u32 s12;
	s12 =	smov.u32 s18;
	[sflag:s17] =	ssyncadd.s32 @!p1 s19  }
.LBB1_1:
0x1e: {  	p1 =	sgt.u32 s13, s6  }
0x1f: {  	s16 =	sshrl.u32 @!p1 s12, $0x3  }
0x20: {  	s17 =	sshll.u32 @!p1 s11, $0x3;
	s16 =	smul.u32 @!p1 $0x7A1400, s16  }
0x21: {  	s18 =	sshll.u32 @!p1 s12, $0x7;
	s17 =	sand.u32 @!p1 $0xFFFFFC00, s17  }
0x22: {  	s16 =	sadd.s32 @!p1 s16, s17;
	s17 =	sand.u32 @!p1 $0x380, s18  }
0x23: {  	s18 =	sand.u32 @!p1 $0x7F, s11;
	s16 =	sor.u32 @!p1 s17, s16  }
0x24: {  	s17 =	sor.u32 @!p1 s18, s16  }
0x25: {  	s18 =	smulhi.u32 @!p1 $0x218D6287, s17;
	_ =	sdelay $0x1  }
0x26: {  	s16 =	smulhi.u32 @!p1 $0x218D6287, s16;
	s18 =	sshrl.u32 @!p1 s18, $0x11  }
0x27: {  	s18 =	smul.u32 @!p1 $0xF4280, s18  }
0x28: {  	s19 =	sxor.u32 @!p1 $0xFFFFFFFF, s13;
	s16 =	sshrl.u32 @!p1 s16, $0x11  }
0x29: {  	s19 =	sshll.u32 @!p1 s19, $0xC;
	s16 =	sand.u32 @!p1 $0x1F, s16;
	s17 =	ssub.s32 @!p1 s17, s18  }
0x2a: {  	s16 =	smul.u32 @!p1 $0x1E850, s16;
	s18 =	sshrl.u32 @!p1 s17, $0x3;
	s17 =	sand.u32 @!p1 $0x7, s17  }
0x2b: {  	s19 =	sand.u32 @!p1 $0x1000, s19;
	s18 =	sadd.s32 @!p1 s2, s18;
	s17 =	sshll.u32 @!p1 s17, $0x12  }
0x2c: {  	s16 =	sadd.s32 @!p1 s16, s18;
	s17 =	sor.u32 @!p1 $0x400, s17;
	s18 =	simm.s32 @!p1 $0x7A1400  }
0x2d: {  	[tilespmem:s19], [sflag:$0x1] =	stream.strided.gather @!p1 [hbm4b:s16+s17], $0x1000, s18, s17, $0x38;
	[tilespmem:$0x4100] =	vst v63  }
0x2e: {  	p1 =	seq.s32 s13, $0x0  }
0x2f: {  	p2 =	sge.u32 @!p1 s13, s7  }
0x30: {  	p1 =	por p1, p2  }
.Ltmp2:
0x31: {  	_ = 	snop;
	(pc) =	sbr.rel @p1 .LBB1_5-.Ltmp2, $1  }
0x32: {  	_ =	sdelay $0x3  }
0x33: {  	s16 =	simm.s32 $0x1  }
0x34: {  	_ =	swait.ge [sflag:s4], $0x1000;
	s16 =	simm.s32 @!p0 $0x0  }
0x35: {  	[sflag:s4] =	ssyncset.done $0x0;
	s17 =	sshll.u32 s16, $0xC  }
0x36: {  	[sflag:s4] =	ssyncadd.s32 $0xFFFFF000;
	s17 =	sor.u32 $0x40, s17  }
0x37: {  	s16 =	smul.u32 $0x4200, s16;
	v0 =	vld [tilespmem:s17+$0x30]  }
0x38: {  	v1 =	vld [tilespmem:s17+$0xFFFFFFD0]  }
0x39: {  	s16 =	sshrl.u32 s16, $0x2;
	v5 =	vld [tilespmem:s17+$0xFFFFFFE0]  }
0x3a: {  	v6 =	vld [tilespmem:s17+$0xFFFFFFF0];
	s19 =	sor.u32 $0x2000, s16  }
0x3b: {  	s31 =	sand.u32 $0x1, s13;
	v4 =	vld [tilespmem:s17+$0x0];
	s18 =	sadd.s32 $0x0, s19  }
0x3c: {  	v3 =	vld [tilespmem:s17+$0x10];
	s16 =	smul.u32 $0x4200, s31;
	[tilespmem:s18+$0xE70 ss:$0x21] =	vst.msk $0xffff, v0  }
0x3d: {  	v2 =	vld [tilespmem:s17+$0x20];
	[tilespmem:s18+$0x210 ss:$0x21] =	vst.msk $0xffff, v1  }
0x3e: {  	s16 =	sshrl.u32 s16, $0x2;
	v1 =	vld [tilespmem:s17+$0xFFFFFFC0];
	[tilespmem:s18+$0x420 ss:$0x21] =	vst.msk $0xffff, v5;
	s17 =	sadd.s32 $0x80, s17  }
0x3f: {  	s20 =	simm.s32 $0x4;
	s21 =	simm.s32 $0x8;
	s16 =	sor.u32 $0x2000, s16;
	[tilespmem:s18+$0x630 ss:$0x21] =	vst.msk $0xffff, v6;
	v0 =	vld [tilespmem:s17+$0x30]  }
.LBB1_3:
0x40: {  	p1 =	sne.s32 s21, $0x7C;
	v5 =	vld [tilespmem:s17+$0xFFFFFFD0];
	[tilespmem:s18+$0x840 ss:$0x21] =	vst.msk $0xffff, v4  }
0x41: {  	v6 =	vld [tilespmem:s17+$0xFFFFFFE0];
	[tilespmem:s18+$0xA50 ss:$0x21] =	vst.msk $0xffff, v3  }
0x42: {  	s22 =	sshra.s32 s20, $0x2;
	s20 =	smov.u32 s21;
	v7 =	vld [tilespmem:s17+$0xFFFFFFF0];
	[tilespmem:s18+$0xC60 ss:$0x21] =	vst.msk $0xffff, v2  }
.Ltmp3:
0x43: {  	v4 =	vld [tilespmem:s17+$0x0];
	[tilespmem:s18+$0x0 ss:$0x21] =	vst.msk $0xffff, v1;
	s18 =	sadd.s32 s22, s19;
	(pc) =	sbr.rel @p1 .LBB1_3-.Ltmp3, $4  }
0x44: {  	v3 =	vld [tilespmem:s17+$0x10];
	[tilespmem:s18+$0xE70 ss:$0x21] =	vst.msk $0xffff, v0  }
0x45: {  	[tilespmem:s18+$0x210 ss:$0x21] =	vst.msk $0xffff, v5;
	v2 =	vld [tilespmem:s17+$0x20]  }
0x46: {  	v1 =	vld [tilespmem:s17+$0xFFFFFFC0];
	[tilespmem:s18+$0x420 ss:$0x21] =	vst.msk $0xffff, v6;
	s17 =	sadd.s32 $0x80, s17  }
0x47: {  	s21 =	sadd.s32 $0x4, s21;
	v0 =	vld [tilespmem:s17+$0x30];
	[tilespmem:s18+$0x630 ss:$0x21] =	vst.msk $0xffff, v7  }
0x48: {  	s21 =	sshll.u32 s9, $0x7;
	s22 =	sshll.u32 s10, $0x3;
	s20 =	sshra.s32 s20, $0x2  }
0x49: {  	p1 =	sgt.s32 s9, $0xF41C0;
	s30 =	sshra.s32 s9, $0x1F;
	s25 =	sshra.s32 s10, $0x1F  }
0x4a: {  	v5 =	vld [tilespmem:s17+$0xFFFFFFD0];
	s28 =	sshrl.u32 s10, $0x3;
	s23 =	sand.u32 $0xFFFFFC00, s21;
	s22 =	sand.u32 $0xFFFFFC00, s22  }
0x4b: {  	[tilespmem:s18+$0x840 ss:$0x21] =	vst.msk $0xffff, v4;
	v58 =	vld [tilespmem:s17+$0xFFFFFFE0];
	s21 =	sand.u32 $0x380, s21;
	s19 =	sadd.s32 s20, s19;
	s22 =	sadd.s32 s22, s23  }
0x4c: {  	v59 =	vld [tilespmem:s17+$0xFFFFFFF0];
	[tilespmem:s18+$0xA50 ss:$0x21] =	vst.msk $0xffff, v3;
	s29 =	sor.u32 s21, s22;
	s21 =	smov.u32 s9;
	s22 =	sand.u32 s30, s9  }
0x4d: {  	v60 =	vld [tilespmem:s17+$0x0];
	[tilespmem:s18+$0xC60 ss:$0x21] =	vst.msk $0xffff, v2;
	s30 =	sand.u32 $0x7, s10;
	s20 =	sshrl.u32 s29, $0x7;
	s21 =	simm.s32 @!p1 $0xF41C0  }
0x4e: {  	v61 =	vld [tilespmem:s17+$0x10];
	[tilespmem:s18+$0x0 ss:$0x21] =	vst.msk $0xffff, v1;
	p1 =	sgt.s32 s10, $0x60;
	s24 =	ssub.s32 s21, s22;
	s21 =	smov.u32 s10  }
0x4f: {  	v62 =	vld [tilespmem:s17+$0x20];
	[tilespmem:s19+$0xE70 ss:$0x21] =	vst.msk $0xffff, v0;
	s31 =	smulhi.u32 $0x218DEF5, s20;
	s22 =	sand.u32 s25, s10;
	s21 =	simm.s32 @!p1 $0x60  }
0x50: {  	v63 =	vld [tilespmem:s17+$0xFFFFFFC0];
	[tilespmem:s19+$0x210 ss:$0x21] =	vst.msk $0xffff, v5;
	s26 =	sadd.s32 $0xFFF0BE40, s24;
	s17 =	ssub.s32 $0xF4240, s24;
	s21 =	ssub.s32 s21, s22  }
0x51: {  	[tilespmem:s19+$0x420 ss:$0x21] =	vst.msk $0xffff, v58;
	s23 =	sshrl.u32 s31, $0xD;
	p1 =	sgt.s32 s26, $0x7F;
	s27 =	sadd.s32 $0xFFFFFFA0, s21  }
0x52: {  	[tilespmem:s19+$0x630 ss:$0x21] =	vst.msk $0xffff, v59;
	s23 =	smul.u32 $0xF4240, s23;
	s18 =	ssub.s32 $0x80, s21;
	p2 =	sgt.s32 s27, $0x1F  }
.Ltmp4:
0x53: {  	[tilespmem:s19+$0x840 ss:$0x21] =	vst.msk $0xffff, v60;
	s17 =	simm.s32 @p1 $0x0;
	s18 =	simm.s32 @p2 $0x0;
	(pc) =	sbr.rel .LBB1_5-.Ltmp4, $4  }
0x54: {  	s29 =	sand.u32 $0xF, s28;
	[tilespmem:s19+$0xA50 ss:$0x21] =	vst.msk $0xffff, v61;
	s20 =	ssub.s32 s20, s23;
	s17 =	smul.u32 s18, s17  }
0x55: {  	[tilespmem:s19+$0xC60 ss:$0x21] =	vst.msk $0xffff, v62;
	s21 =	sshll.u32 s30, $0x12;
	s20 =	sshll.u32 s20, $0x4;
	s18 =	sadd.s32 s5, s29  }
0x56: {  	[tilespmem:s19+$0x0 ss:$0x21] =	vst.msk $0xffff, v63;
	s31 =	sor.u32 $0x20, s21;
	s18 =	sadd.s32 s20, s18;
	s17 =	sand.u32 $0x3FFFFFFF, s17  }
0x57: {  	[hbm4b:s18+s31] =	stream.strided.scatter [tilespmem:s16], [sflag:$0x2], s17, s8, s31, $0x10;
	[tilespmem:$0x4100] =	vst v63  }
.LBB1_6:
0x58: {  	_ =	sfence.sel $0x180000  }
0x59: {  	s2 =	simm.s32 $0x1;
	[bflag:$0x0] =	sbarrier.arrive $0xFFFF  }
0x5a: {  	s31 =	simm.s32 $0x2;
	[sflag:s2] =	ssyncpa.u1 $0x1  }
0x5b: {  	[sflag:s31] =	ssyncpa.u1 $0x1  }
0x5c: {  	p0 =	sne.s32 s1, $0x0;
	_ =	strace $0x90000047  }
0x5d: {  	s0 =	sadd.s32 @!p0 $0x100000, s0;
	[bflag:$0x2] =	sbarrier.arrive $0xFFFF  }
0x5e: {  	[sflag:s0] =	ssyncadd.tile.s32 @!p0 $0x1;
	_ =	shalt  }
.Lfunc_end1:
_tile_overlayer_lowered:
.L_overlay_start_2:
0x5f: {  	(tag) =	ssettag $0x2  }
0x60: {  	s0 =	rddreg [dreg:$0x0];
	s2 =	stileid.u32  }
0x61: {  	s1 =	rddreg [dreg:$0x1];
	p0 =	sne.s32 s2, $0x0  }
0x62: {  	s3 =	rddreg [dreg:$0x2];
	[bflag:$0x3] =	sbarrier.arrive $0xFFFF;
	s2 =	simm.s32 @!p0 $0x1C01  }
0x63: {  	[timem:s3], [sflag:s2] =	dma.local @!p0 [hbm:s0], s1  }
0x64: {  	s0 =	simm.s32 @!p0 $0x1  }
0x65: {  	_ =	swait.ge @!p0 [sflag:s0], s1  }
0x66: {  	s1 =	ssub.s32 @!p0 $0x0, s1;
	[sflag:s0] =	ssyncset.done @!p0 $0x0  }
0x67: {  	[sflag:s0] =	ssyncadd.s32 @!p0 s1  }
0x68: {  	[bflag:$0x3] =	sbarrier.arrive $0xFFFF  }
0x69: {  	_ =	shalt  }

</sc_bundles>
